<compile_context>
chip_gen: v7x
topology: tpu7x:2x2x1
jax: 0.10.2.dev20260603
libtpu: 0.0.44.dev20260713+nightly
codegen_flags: <defaults>
</compile_context>

<pallas_src>
import functools

import jax
import jax.numpy as jnp
from jax import lax
from jax.experimental import pallas as pl
from jax.experimental.pallas import tpu as pltpu
from jax.experimental.pallas import tpu_sc as plsc

N = 10000
E = 320000
D = 128

NC = 2
NS = 16
NW = NC * NS

CH = 128
E_TILE = 10240
NCHUNK = E_TILE // CH
E_HALF = E_TILE * NS
E_PAD = E_HALF * NC
N_PAD = 10240
ROWS_T = N_PAD // NS
DUMMY = N

_mesh = plsc.VectorSubcoreMesh(core_axis_name="c", subcore_axis_name="s")


@functools.partial(
    pl.kernel,
    out_type=(jax.ShapeDtypeStruct((N_PAD,), jnp.float32),
              jax.ShapeDtypeStruct((N_PAD,), jnp.float32)),
    mesh=_mesh,
    scratch_types=[
        pltpu.VMEM((CH,), jnp.int32),
        pltpu.VMEM((CH,), jnp.float32),
        pltpu.VMEM_SHARED((N_PAD,), jnp.float32),
    ],
)
def _deg_kernel(dst_hbm, zeros1_hbm, d0_hbm, d1_hbm, idx_v, ones_v, dacc):
    c = lax.axis_index("c")
    s = lax.axis_index("s")
    sl = pl.ds(s * ROWS_T, ROWS_T)
    pltpu.sync_copy(zeros1_hbm.at[sl], dacc.at[sl])

    def fill(i, _):
        ones_v[pl.ds(i * 16, 16)] = jnp.ones((16,), jnp.float32)
        return 0
    lax.fori_loop(0, CH // 16, fill, 0)
    plsc.subcore_barrier()

    base = c * E_HALF + s * E_TILE

    def body(i, _):
        pltpu.sync_copy(dst_hbm.at[pl.ds(base + i * CH, CH)], idx_v)
        pltpu.sync_copy(ones_v, dacc.at[idx_v], add=True)
        return 0
    lax.fori_loop(0, NCHUNK, body, 0)
    plsc.subcore_barrier()

    @pl.when(c == 0)
    def _():
        pltpu.sync_copy(dacc.at[sl], d0_hbm.at[sl])

    @pl.when(c == 1)
    def _():
        pltpu.sync_copy(dacc.at[sl], d1_hbm.at[sl])


@functools.partial(
    pl.kernel,
    out_type=(jax.ShapeDtypeStruct((N_PAD, D), jnp.float32),
              jax.ShapeDtypeStruct((N_PAD, D), jnp.float32)),
    mesh=_mesh,
    scratch_types=[
        pltpu.VMEM((CH,), jnp.int32),
        pltpu.VMEM((CH,), jnp.int32),
        pltpu.VMEM((CH, D), jnp.float32),
        pltpu.VMEM_SHARED((N_PAD, D), jnp.float32),
        pltpu.SemaphoreType.DMA,
    ],
)
def _hop_kernel(y_hbm, src_hbm, dst_hbm, zeros2_hbm, p0_hbm, p1_hbm,
                idx_s, idx_d, rows_v, acc, sem):
    c = lax.axis_index("c")
    s = lax.axis_index("s")
    sl = pl.ds(s * ROWS_T, ROWS_T)
    pltpu.sync_copy(zeros2_hbm.at[sl], acc.at[sl])
    plsc.subcore_barrier()

    base = c * E_HALF + s * E_TILE

    def body(i, _):
        pltpu.sync_copy(src_hbm.at[pl.ds(base + i * CH, CH)], idx_s)
        pltpu.sync_copy(dst_hbm.at[pl.ds(base + i * CH, CH)], idx_d)
        pltpu.async_copy(y_hbm.at[idx_s], rows_v, sem).wait()
        pltpu.sync_copy(rows_v, acc.at[idx_d], add=True)
        return 0
    lax.fori_loop(0, NCHUNK, body, 0)
    plsc.subcore_barrier()

    @pl.when(c == 0)
    def _():
        pltpu.sync_copy(acc.at[sl], p0_hbm.at[sl])

    @pl.when(c == 1)
    def _():
        pltpu.sync_copy(acc.at[sl], p1_hbm.at[sl])


RB = 2000


def _scale_body(x_ref, d0_ref, d1_ref, y_ref):
    deg = d0_ref[...] + d1_ref[...] + 1.0
    y_ref[...] = x_ref[...] * lax.rsqrt(deg)


def _mid_body(p0_ref, p1_ref, y_ref, d0_ref, d1_ref, z_ref):
    deg = d0_ref[...] + d1_ref[...] + 1.0
    z_ref[...] = (p0_ref[...] + p1_ref[...] + y_ref[...]) / deg


def _out_body(q0_ref, q1_ref, z_ref, d0_ref, d1_ref, w_ref, b_ref, o_ref):
    deg = d0_ref[...] + d1_ref[...] + 1.0
    h = (q0_ref[...] + q1_ref[...] + z_ref[...]) * lax.rsqrt(deg)
    o_ref[...] = jnp.dot(h, w_ref[...],
                         preferred_element_type=jnp.float32) + b_ref[...]


def _row_spec():
    return pl.BlockSpec((RB, D), lambda i: (i, 0))


def _col_spec():
    return pl.BlockSpec((RB, 1), lambda i: (i, 0))


def kernel(x, edge_index, edge_weights, W, b):
    del edge_weights
    src = edge_index[0]
    dst = edge_index[1]
    pad = E_PAD - E
    src_p = jnp.concatenate([src, jnp.zeros((pad,), jnp.int32)])
    dst_p = jnp.concatenate([dst, jnp.full((pad,), DUMMY, jnp.int32)])
    zeros1 = jnp.zeros((N_PAD,), jnp.float32)
    zeros2 = jnp.zeros((N_PAD, D), jnp.float32)

    d0, d1 = _deg_kernel(dst_p, zeros1)
    d0c = d0.reshape(N_PAD, 1)
    d1c = d1.reshape(N_PAD, 1)

    grid = N // RB
    y = pl.pallas_call(
        _scale_body,
        grid=(grid,),
        in_specs=[_row_spec(), _col_spec(), _col_spec()],
        out_specs=_row_spec(),
        out_shape=jax.ShapeDtypeStruct((N, D), jnp.float32),
    )(x, d0c, d1c)

    p0, p1 = _hop_kernel(y, src_p, dst_p, zeros2)

    z = pl.pallas_call(
        _mid_body,
        grid=(grid,),
        in_specs=[_row_spec(), _row_spec(), _row_spec(),
                  _col_spec(), _col_spec()],
        out_specs=_row_spec(),
        out_shape=jax.ShapeDtypeStruct((N, D), jnp.float32),
    )(p0, p1, y, d0c, d1c)

    q0, q1 = _hop_kernel(z, src_p, dst_p, zeros2)

    out = pl.pallas_call(
        _out_body,
        grid=(grid,),
        in_specs=[_row_spec(), _row_spec(), _row_spec(),
                  _col_spec(), _col_spec(),
                  pl.BlockSpec((D, D), lambda i: (0, 0)),
                  pl.BlockSpec((1, D), lambda i: (0, 0))],
        out_specs=_row_spec(),
        out_shape=jax.ShapeDtypeStruct((N, D), jnp.float32),
    )(q0, q1, z, d0c, d1c, W, b.reshape(1, D))
    return out

# --- scband reference (transcript-rebuilt; emitter-appended) ---
"""Pipeline reference for scband-simple-gcn-55679956025854 (READ-ONLY COPY).

The authoritative reference and input builder live on the scoring server;
editing this copy changes nothing except your own understanding.
"""

import jax, jax.numpy as jnp
import numpy as np

N_NODES = 10000
N_EDGES = 320000
D_IN = 128
D_OUT = 128
K_HOPS = 2


def setup_inputs(seed: int = 0) -> dict:
    key = jax.random.key(seed)
    k1, k2, k3, k4 = jax.random.split(key, 4)
    x = jax.random.normal(k1, (N_NODES, D_IN), dtype=jnp.float32)
    edge_index = jax.random.randint(k2, (2, N_EDGES), 0, N_NODES, dtype=jnp.int32)
    edge_weights = jax.random.uniform(k3, (N_EDGES,), dtype=jnp.float32)
    # SGConv linear layer parameters (PyG Linear default: bias=True)
    W = jax.random.normal(k4, (D_IN, D_OUT), dtype=jnp.float32) * (1.0 / np.sqrt(D_IN))
    b = jnp.zeros((D_OUT,), dtype=jnp.float32)
    return {"x": x, "edge_index": edge_index, "edge_weights": edge_weights, "W": W, "b": b}


def reference(x, edge_index, edge_weights, W, b):
    # NOTE: the original forward drops edge_weights (SGConv is called with
    # edge_index only), so gcn_norm uses unit edge weights. Dropout is identity
    # in eval mode (training=False).
    N = x.shape[0]
    src = edge_index[0]
    dst = edge_index[1]
    # gcn_norm: add self-loops with weight 1
    loop = jnp.arange(N, dtype=src.dtype)
    src2 = jnp.concatenate([src, loop])
    dst2 = jnp.concatenate([dst, loop])
    ew = jnp.ones((src2.shape[0],), dtype=x.dtype)
    # deg computed from col (= dst) per PyG gcn_norm
    deg = jax.ops.segment_sum(ew, dst2, num_segments=N)
    deg_inv_sqrt = jnp.where(deg > 0, 1.0 / jnp.sqrt(deg), 0.0)
    norm = deg_inv_sqrt[src2] * ew * deg_inv_sqrt[dst2]
    # K-hop propagation: h <- A_hat h, K times
    h = x
    for _ in range(K_HOPS):
        msgs = h[src2] * norm[:, None]
        h = jax.ops.segment_sum(msgs, dst2, num_segments=N)
    # final linear transform
    out = h @ W + b
    return out

if __name__ == "__main__":
    import jax
    _d = setup_inputs()
    print(jax.jit(kernel)(*tuple(_d.values())))

</pallas_src>

<mosaic_0001>
#map = affine_map<(d0, d1) -> (0, 0)>
#map1 = affine_map<(d0, d1) -> (0)>
module attributes {stable_mosaic.version = 14 : i64} {
  func.func @_hop_kernel(%arg0: i32, %arg1: i32, %arg2: memref<10000x128xf32, #tpu.memory_space<hbm>>, %arg3: memref<327680xi32, #tpu.memory_space<hbm>>, %arg4: memref<327680xi32, #tpu.memory_space<hbm>>, %arg5: memref<10240x128xf32, #tpu.memory_space<hbm>>, %arg6: memref<10240x128xf32, #tpu.memory_space<hbm>>, %arg7: memref<10240x128xf32, #tpu.memory_space<hbm>>, %arg8: memref<128xi32, #tpu.memory_space<vmem>>, %arg9: memref<128xi32, #tpu.memory_space<vmem>>, %arg10: memref<128x128xf32, #tpu.memory_space<vmem>>, %arg11: memref<10240x128xf32, #tpu.memory_space<vmem_shared>>, %arg12: memref<!tpu.dma_semaphore, #tpu.memory_space<semaphore_mem>>) attributes {dimension_semantics = [#tpu.dimension_semantics<core_parallel>, #tpu.dimension_semantics<subcore_parallel>], iteration_bounds = array<i64: 2, 16>, scalar_prefetch = 0 : i64, scratch_operands = 5 : i64, tpu.core_type = #tpu.core_type<sc_vector_subcore>, window_params = [{transform_indices = #map}, {transform_indices = #map1}, {transform_indices = #map1}, {transform_indices = #map}, {transform_indices = #map}, {transform_indices = #map}]} {
    %mul3A = arith.constant 640 : i32
    %mul3A_0 = arith.muli %arg1, %mul3A : i32
    "tpu.region"() ({
      %run_scoped3A = tpu.sem_alloc : memref<!tpu.dma_semaphore, #tpu.memory_space<semaphore_mem>>
      %dma_start3A = arith.constant 0 : i32
      %dma_start3A_19 = tpu.memref_slice %arg11[%mul3A_0, %dma_start3A] : memref<10240x128xf32, #tpu.memory_space<vmem_shared>> -> memref<640x128xf32, #tpu.memory_space<vmem_shared>>
      %dma_start3A_20 = arith.constant 0 : i32
      %dma_start3A_21 = tpu.memref_slice %arg5[%mul3A_0, %dma_start3A_20] : memref<10240x128xf32, #tpu.memory_space<hbm>> -> memref<640x128xf32, #tpu.memory_space<hbm>>
      tpu.enqueue_dma source(%dma_start3A_21 : memref<640x128xf32, #tpu.memory_space<hbm>>) target(%dma_start3A_19 : memref<640x128xf32, #tpu.memory_space<vmem_shared>>) target_semaphore(%run_scoped3A : memref<!tpu.dma_semaphore, #tpu.memory_space<semaphore_mem>>)
      %dma_wait3A = arith.constant 0 : i32
      %dma_wait3A_22 = tpu.memref_slice %arg11[%mul3A_0, %dma_wait3A] : memref<10240x128xf32, #tpu.memory_space<vmem_shared>> -> memref<640x128xf32, #tpu.memory_space<vmem_shared>>
      %dma_wait3A_23 = arith.constant 0 : i32
      %dma_wait3A_24 = tpu.memref_slice %arg5[%mul3A_0, %dma_wait3A_23] : memref<10240x128xf32, #tpu.memory_space<hbm>> -> memref<640x128xf32, #tpu.memory_space<hbm>>
      tpu.wait_dma2 semaphore(%run_scoped3A : memref<!tpu.dma_semaphore, #tpu.memory_space<semaphore_mem>>) src(%dma_wait3A_24 : memref<640x128xf32, #tpu.memory_space<hbm>>) dst(%dma_wait3A_22 : memref<640x128xf32, #tpu.memory_space<vmem_shared>>)
      tpu.yield
    }) : () -> ()
    %barrier3A = arith.constant 0 : index
    tpu.barrier barrier_id(%barrier3A)
    %mul3A_1 = arith.constant 163840 : i32
    %mul3A_2 = arith.muli %arg0, %mul3A_1 : i32
    %mul3A_3 = arith.constant 10240 : i32
    %mul3A_4 = arith.muli %arg1, %mul3A_3 : i32
    %add3A = arith.addi %mul3A_2, %mul3A_4 : i32
    %scan3A = arith.constant 0 : i32
    %scan3A_5 = arith.constant 0 : i32
    %scan3A_6 = arith.constant 80 : i32
    %scan3A_7 = arith.addi %scan3A_5, %scan3A_6 : i32
    %scan3A_8 = arith.constant 1 : i32
    %scan3A_9 = scf.for %scan3A_19 = %scan3A_5 to %scan3A_7 step %scan3A_8 iter_args(%scan3A_20 = %scan3A) -> (i32)  : i32 {
      %mul3A_21 = arith.constant 128 : i32
      %mul3A_22 = arith.muli %scan3A_19, %mul3A_21 : i32
      %add3A_23 = arith.addi %add3A, %mul3A_22 : i32
      "tpu.region"() ({
        %run_scoped3A = tpu.sem_alloc : memref<!tpu.dma_semaphore, #tpu.memory_space<semaphore_mem>>
        %dma_start3A_32 = tpu.memref_slice %arg3[%add3A_23] : memref<327680xi32, #tpu.memory_space<hbm>> -> memref<128xi32, #tpu.memory_space<hbm>>
        %dma_start3A_33 = tpu.memref_slice %arg3[%add3A_23] : memref<327680xi32, #tpu.memory_space<hbm>> -> memref<128xi32, #tpu.memory_space<hbm>>
        tpu.enqueue_dma source(%dma_start3A_33 : memref<128xi32, #tpu.memory_space<hbm>>) target(%arg8 : memref<128xi32, #tpu.memory_space<vmem>>) target_semaphore(%run_scoped3A : memref<!tpu.dma_semaphore, #tpu.memory_space<semaphore_mem>>)
        %dma_wait3A_34 = tpu.memref_slice %arg3[%add3A_23] : memref<327680xi32, #tpu.memory_space<hbm>> -> memref<128xi32, #tpu.memory_space<hbm>>
        %dma_wait3A_35 = tpu.memref_slice %arg3[%add3A_23] : memref<327680xi32, #tpu.memory_space<hbm>> -> memref<128xi32, #tpu.memory_space<hbm>>
        tpu.wait_dma2 semaphore(%run_scoped3A : memref<!tpu.dma_semaphore, #tpu.memory_space<semaphore_mem>>) src(%dma_wait3A_35 : memref<128xi32, #tpu.memory_space<hbm>>) dst(%arg8 : memref<128xi32, #tpu.memory_space<vmem>>)
        tpu.yield
      }) : () -> ()
      %mul3A_24 = arith.constant 128 : i32
      %mul3A_25 = arith.muli %scan3A_19, %mul3A_24 : i32
      %add3A_26 = arith.addi %add3A, %mul3A_25 : i32
      "tpu.region"() ({
        %run_scoped3A = tpu.sem_alloc : memref<!tpu.dma_semaphore, #tpu.memory_space<semaphore_mem>>
        %dma_start3A_32 = tpu.memref_slice %arg4[%add3A_26] : memref<327680xi32, #tpu.memory_space<hbm>> -> memref<128xi32, #tpu.memory_space<hbm>>
        %dma_start3A_33 = tpu.memref_slice %arg4[%add3A_26] : memref<327680xi32, #tpu.memory_space<hbm>> -> memref<128xi32, #tpu.memory_space<hbm>>
        tpu.enqueue_dma source(%dma_start3A_33 : memref<128xi32, #tpu.memory_space<hbm>>) target(%arg9 : memref<128xi32, #tpu.memory_space<vmem>>) target_semaphore(%run_scoped3A : memref<!tpu.dma_semaphore, #tpu.memory_space<semaphore_mem>>)
        %dma_wait3A_34 = tpu.memref_slice %arg4[%add3A_26] : memref<327680xi32, #tpu.memory_space<hbm>> -> memref<128xi32, #tpu.memory_space<hbm>>
        %dma_wait3A_35 = tpu.memref_slice %arg4[%add3A_26] : memref<327680xi32, #tpu.memory_space<hbm>> -> memref<128xi32, #tpu.memory_space<hbm>>
        tpu.wait_dma2 semaphore(%run_scoped3A : memref<!tpu.dma_semaphore, #tpu.memory_space<semaphore_mem>>) src(%dma_wait3A_35 : memref<128xi32, #tpu.memory_space<hbm>>) dst(%arg9 : memref<128xi32, #tpu.memory_space<vmem>>)
        tpu.yield
      }) : () -> ()
      %dma_start3A = arith.constant 0 : i32
      %dma_start3A_27 = arith.constant 0 : i32
      %dma_start3A_28 = tpu.memref_slice %arg2[%dma_start3A, %dma_start3A_27] : memref<10000x128xf32, #tpu.memory_space<hbm>> -> memref<10000x128xf32, #tpu.memory_space<hbm>>
      tpu.enqueue_indirect_dma source(%dma_start3A_28 : memref<10000x128xf32, #tpu.memory_space<hbm>>) target(%arg10 : memref<128x128xf32, #tpu.memory_space<vmem>>) offsets(%arg8 : memref<128xi32, #tpu.memory_space<vmem>>) semaphore(%arg12 : memref<!tpu.dma_semaphore, #tpu.memory_space<semaphore_mem>>)
      %dma_wait3A = arith.constant 0 : i32
      %dma_wait3A_29 = arith.constant 0 : i32
      %dma_wait3A_30 = tpu.memref_slice %arg2[%dma_wait3A, %dma_wait3A_29] : memref<10000x128xf32, #tpu.memory_space<hbm>> -> memref<10000x128xf32, #tpu.memory_space<hbm>>
      tpu.wait_indirect_dma semaphore(%arg12 : memref<!tpu.dma_semaphore, #tpu.memory_space<semaphore_mem>>) src(%dma_wait3A_30 : memref<10000x128xf32, #tpu.memory_space<hbm>>) dst(%arg10 : memref<128x128xf32, #tpu.memory_space<vmem>>)
      "tpu.region"() ({
        %run_scoped3A = tpu.sem_alloc : memref<!tpu.dma_semaphore, #tpu.memory_space<semaphore_mem>>
        %dma_start3A_32 = arith.constant 0 : i32
        %dma_start3A_33 = arith.constant 0 : i32
        %dma_start3A_34 = tpu.memref_slice %arg11[%dma_start3A_32, %dma_start3A_33] : memref<10240x128xf32, #tpu.memory_space<vmem_shared>> -> memref<10240x128xf32, #tpu.memory_space<vmem_shared>>
        tpu.enqueue_indirect_dma source(%arg10 : memref<128x128xf32, #tpu.memory_space<vmem>>) target(%dma_start3A_34 : memref<10240x128xf32, #tpu.memory_space<vmem_shared>>) offsets(%arg9 : memref<128xi32, #tpu.memory_space<vmem>>) semaphore(%run_scoped3A : memref<!tpu.dma_semaphore, #tpu.memory_space<semaphore_mem>>) {add = true}
        %dma_wait3A_35 = arith.constant 0 : i32
        %dma_wait3A_36 = arith.constant 0 : i32
        %dma_wait3A_37 = tpu.memref_slice %arg11[%dma_wait3A_35, %dma_wait3A_36] : memref<10240x128xf32, #tpu.memory_space<vmem_shared>> -> memref<10240x128xf32, #tpu.memory_space<vmem_shared>>
        tpu.wait_indirect_dma semaphore(%run_scoped3A : memref<!tpu.dma_semaphore, #tpu.memory_space<semaphore_mem>>) src(%arg10 : memref<128x128xf32, #tpu.memory_space<vmem>>) dst(%dma_wait3A_37 : memref<10240x128xf32, #tpu.memory_space<vmem_shared>>)
        tpu.yield
      }) : () -> ()
      %scan3A_31 = arith.constant 0 : i32
      scf.yield %scan3A_31 : i32
    }
    %scan3A_10 = arith.constant 80 : i32
    %barrier3A_11 = arith.constant 0 : index
    tpu.barrier barrier_id(%barrier3A_11)
    %eq3A = arith.constant 0 : i32
    %eq3A_12 = arith.cmpi eq, %arg0, %eq3A : i32
    %convert_element_type3A = arith.extui %eq3A_12 : i1 to i32
    %cond3A = arith.constant 0 : i32
    %cond3A_13 = arith.cmpi ne, %convert_element_type3A, %cond3A : i32
    scf.if %cond3A_13 {
      "tpu.region"() ({
        %run_scoped3A = tpu.sem_alloc : memref<!tpu.dma_semaphore, #tpu.memory_space<semaphore_mem>>
        %dma_start3A = arith.constant 0 : i32
        %dma_start3A_19 = tpu.memref_slice %arg6[%mul3A_0, %dma_start3A] : memref<10240x128xf32, #tpu.memory_space<hbm>> -> memref<640x128xf32, #tpu.memory_space<hbm>>
        %dma_start3A_20 = arith.constant 0 : i32
        %dma_start3A_21 = tpu.memref_slice %arg11[%mul3A_0, %dma_start3A_20] : memref<10240x128xf32, #tpu.memory_space<vmem_shared>> -> memref<640x128xf32, #tpu.memory_space<vmem_shared>>
        tpu.enqueue_dma source(%dma_start3A_21 : memref<640x128xf32, #tpu.memory_space<vmem_shared>>) target(%dma_start3A_19 : memref<640x128xf32, #tpu.memory_space<hbm>>) target_semaphore(%run_scoped3A : memref<!tpu.dma_semaphore, #tpu.memory_space<semaphore_mem>>)
        %dma_wait3A = arith.constant 0 : i32
        %dma_wait3A_22 = tpu.memref_slice %arg6[%mul3A_0, %dma_wait3A] : memref<10240x128xf32, #tpu.memory_space<hbm>> -> memref<640x128xf32, #tpu.memory_space<hbm>>
        %dma_wait3A_23 = arith.constant 0 : i32
        %dma_wait3A_24 = tpu.memref_slice %arg11[%mul3A_0, %dma_wait3A_23] : memref<10240x128xf32, #tpu.memory_space<vmem_shared>> -> memref<640x128xf32, #tpu.memory_space<vmem_shared>>
        tpu.wait_dma2 semaphore(%run_scoped3A : memref<!tpu.dma_semaphore, #tpu.memory_space<semaphore_mem>>) src(%dma_wait3A_24 : memref<640x128xf32, #tpu.memory_space<vmem_shared>>) dst(%dma_wait3A_22 : memref<640x128xf32, #tpu.memory_space<hbm>>)
        tpu.yield
      }) : () -> ()
    } else {
    }
    %eq3A_14 = arith.constant 1 : i32
    %eq3A_15 = arith.cmpi eq, %arg0, %eq3A_14 : i32
    %convert_element_type3A_16 = arith.extui %eq3A_15 : i1 to i32
    %cond3A_17 = arith.constant 0 : i32
    %cond3A_18 = arith.cmpi ne, %convert_element_type3A_16, %cond3A_17 : i32
    scf.if %cond3A_18 {
      "tpu.region"() ({
        %run_scoped3A = tpu.sem_alloc : memref<!tpu.dma_semaphore, #tpu.memory_space<semaphore_mem>>
        %dma_start3A = arith.constant 0 : i32
        %dma_start3A_19 = tpu.memref_slice %arg7[%mul3A_0, %dma_start3A] : memref<10240x128xf32, #tpu.memory_space<hbm>> -> memref<640x128xf32, #tpu.memory_space<hbm>>
        %dma_start3A_20 = arith.constant 0 : i32
        %dma_start3A_21 = tpu.memref_slice %arg11[%mul3A_0, %dma_start3A_20] : memref<10240x128xf32, #tpu.memory_space<vmem_shared>> -> memref<640x128xf32, #tpu.memory_space<vmem_shared>>
        tpu.enqueue_dma source(%dma_start3A_21 : memref<640x128xf32, #tpu.memory_space<vmem_shared>>) target(%dma_start3A_19 : memref<640x128xf32, #tpu.memory_space<hbm>>) target_semaphore(%run_scoped3A : memref<!tpu.dma_semaphore, #tpu.memory_space<semaphore_mem>>)
        %dma_wait3A = arith.constant 0 : i32
        %dma_wait3A_22 = tpu.memref_slice %arg7[%mul3A_0, %dma_wait3A] : memref<10240x128xf32, #tpu.memory_space<hbm>> -> memref<640x128xf32, #tpu.memory_space<hbm>>
        %dma_wait3A_23 = arith.constant 0 : i32
        %dma_wait3A_24 = tpu.memref_slice %arg11[%mul3A_0, %dma_wait3A_23] : memref<10240x128xf32, #tpu.memory_space<vmem_shared>> -> memref<640x128xf32, #tpu.memory_space<vmem_shared>>
        tpu.wait_dma2 semaphore(%run_scoped3A : memref<!tpu.dma_semaphore, #tpu.memory_space<semaphore_mem>>) src(%dma_wait3A_24 : memref<640x128xf32, #tpu.memory_space<vmem_shared>>) dst(%dma_wait3A_22 : memref<640x128xf32, #tpu.memory_space<hbm>>)
        tpu.yield
      }) : () -> ()
    } else {
    }
    return
  }
}

#map = affine_map<(d0, d1) -> (0, 0)>
#map1 = affine_map<(d0, d1) -> (0)>
module attributes {stable_mosaic.version = 14 : i64} {
  func.func @_hop_kernel(%arg0: i32, %arg1: i32, %arg2: memref<10000x128xf32, #tpu.memory_space<hbm>>, %arg3: memref<327680xi32, #tpu.memory_space<hbm>>, %arg4: memref<327680xi32, #tpu.memory_space<hbm>>, %arg5: memref<10240x128xf32, #tpu.memory_space<hbm>>, %arg6: memref<10240x128xf32, #tpu.memory_space<hbm>>, %arg7: memref<10240x128xf32, #tpu.memory_space<hbm>>, %arg8: memref<128xi32, #tpu.memory_space<vmem>>, %arg9: memref<128xi32, #tpu.memory_space<vmem>>, %arg10: memref<128x128xf32, #tpu.memory_space<vmem>>, %arg11: memref<10240x128xf32, #tpu.memory_space<vmem_shared>>, %arg12: memref<!tpu.dma_semaphore, #tpu.memory_space<semaphore_mem>>) attributes {dimension_semantics = [#tpu.dimension_semantics<core_parallel>, #tpu.dimension_semantics<subcore_parallel>], iteration_bounds = array<i64: 2, 16>, scalar_prefetch = 0 : i64, scratch_operands = 5 : i64, tpu.core_type = #tpu.core_type<sc_vector_subcore>, window_params = [{transform_indices = #map}, {transform_indices = #map1}, {transform_indices = #map1}, {transform_indices = #map}, {transform_indices = #map}, {transform_indices = #map}]} {
    %mul3A = arith.constant 640 : i32
    %mul3A_0 = arith.muli %arg1, %mul3A : i32
    "tpu.region"() ({
      %run_scoped3A = tpu.sem_alloc : memref<!tpu.dma_semaphore, #tpu.memory_space<semaphore_mem>>
      %dma_start3A = arith.constant 0 : i32
      %dma_start3A_19 = tpu.memref_slice %arg11[%mul3A_0, %dma_start3A] : memref<10240x128xf32, #tpu.memory_space<vmem_shared>> -> memref<640x128xf32, #tpu.memory_space<vmem_shared>>
      %dma_start3A_20 = arith.constant 0 : i32
      %dma_start3A_21 = tpu.memref_slice %arg5[%mul3A_0, %dma_start3A_20] : memref<10240x128xf32, #tpu.memory_space<hbm>> -> memref<640x128xf32, #tpu.memory_space<hbm>>
      tpu.enqueue_dma source(%dma_start3A_21 : memref<640x128xf32, #tpu.memory_space<hbm>>) target(%dma_start3A_19 : memref<640x128xf32, #tpu.memory_space<vmem_shared>>) target_semaphore(%run_scoped3A : memref<!tpu.dma_semaphore, #tpu.memory_space<semaphore_mem>>)
      %dma_wait3A = arith.constant 0 : i32
      %dma_wait3A_22 = tpu.memref_slice %arg11[%mul3A_0, %dma_wait3A] : memref<10240x128xf32, #tpu.memory_space<vmem_shared>> -> memref<640x128xf32, #tpu.memory_space<vmem_shared>>
      %dma_wait3A_23 = arith.constant 0 : i32
      %dma_wait3A_24 = tpu.memref_slice %arg5[%mul3A_0, %dma_wait3A_23] : memref<10240x128xf32, #tpu.memory_space<hbm>> -> memref<640x128xf32, #tpu.memory_space<hbm>>
      tpu.wait_dma2 semaphore(%run_scoped3A : memref<!tpu.dma_semaphore, #tpu.memory_space<semaphore_mem>>) src(%dma_wait3A_24 : memref<640x128xf32, #tpu.memory_space<hbm>>) dst(%dma_wait3A_22 : memref<640x128xf32, #tpu.memory_space<vmem_shared>>)
      tpu.yield
    }) : () -> ()
    %barrier3A = arith.constant 0 : index
    tpu.barrier barrier_id(%barrier3A)
    %mul3A_1 = arith.constant 163840 : i32
    %mul3A_2 = arith.muli %arg0, %mul3A_1 : i32
    %mul3A_3 = arith.constant 10240 : i32
    %mul3A_4 = arith.muli %arg1, %mul3A_3 : i32
    %add3A = arith.addi %mul3A_2, %mul3A_4 : i32
    %scan3A = arith.constant 0 : i32
    %scan3A_5 = arith.constant 0 : i32
    %scan3A_6 = arith.constant 80 : i32
    %scan3A_7 = arith.addi %scan3A_5, %scan3A_6 : i32
    %scan3A_8 = arith.constant 1 : i32
    %scan3A_9 = scf.for %scan3A_19 = %scan3A_5 to %scan3A_7 step %scan3A_8 iter_args(%scan3A_20 = %scan3A) -> (i32)  : i32 {
      %mul3A_21 = arith.constant 128 : i32
      %mul3A_22 = arith.muli %scan3A_19, %mul3A_21 : i32
      %add3A_23 = arith.addi %add3A, %mul3A_22 : i32
      "tpu.region"() ({
        %run_scoped3A = tpu.sem_alloc : memref<!tpu.dma_semaphore, #tpu.memory_space<semaphore_mem>>
        %dma_start3A_32 = tpu.memref_slice %arg3[%add3A_23] : memref<327680xi32, #tpu.memory_space<hbm>> -> memref<128xi32, #tpu.memory_space<hbm>>
        %dma_start3A_33 = tpu.memref_slice %arg3[%add3A_23] : memref<327680xi32, #tpu.memory_space<hbm>> -> memref<128xi32, #tpu.memory_space<hbm>>
        tpu.enqueue_dma source(%dma_start3A_33 : memref<128xi32, #tpu.memory_space<hbm>>) target(%arg8 : memref<128xi32, #tpu.memory_space<vmem>>) target_semaphore(%run_scoped3A : memref<!tpu.dma_semaphore, #tpu.memory_space<semaphore_mem>>)
        %dma_wait3A_34 = tpu.memref_slice %arg3[%add3A_23] : memref<327680xi32, #tpu.memory_space<hbm>> -> memref<128xi32, #tpu.memory_space<hbm>>
        %dma_wait3A_35 = tpu.memref_slice %arg3[%add3A_23] : memref<327680xi32, #tpu.memory_space<hbm>> -> memref<128xi32, #tpu.memory_space<hbm>>
        tpu.wait_dma2 semaphore(%run_scoped3A : memref<!tpu.dma_semaphore, #tpu.memory_space<semaphore_mem>>) src(%dma_wait3A_35 : memref<128xi32, #tpu.memory_space<hbm>>) dst(%arg8 : memref<128xi32, #tpu.memory_space<vmem>>)
        tpu.yield
      }) : () -> ()
      %mul3A_24 = arith.constant 128 : i32
      %mul3A_25 = arith.muli %scan3A_19, %mul3A_24 : i32
      %add3A_26 = arith.addi %add3A, %mul3A_25 : i32
      "tpu.region"() ({
        %run_scoped3A = tpu.sem_alloc : memref<!tpu.dma_semaphore, #tpu.memory_space<semaphore_mem>>
        %dma_start3A_32 = tpu.memref_slice %arg4[%add3A_26] : memref<327680xi32, #tpu.memory_space<hbm>> -> memref<128xi32, #tpu.memory_space<hbm>>
        %dma_start3A_33 = tpu.memref_slice %arg4[%add3A_26] : memref<327680xi32, #tpu.memory_space<hbm>> -> memref<128xi32, #tpu.memory_space<hbm>>
        tpu.enqueue_dma source(%dma_start3A_33 : memref<128xi32, #tpu.memory_space<hbm>>) target(%arg9 : memref<128xi32, #tpu.memory_space<vmem>>) target_semaphore(%run_scoped3A : memref<!tpu.dma_semaphore, #tpu.memory_space<semaphore_mem>>)
        %dma_wait3A_34 = tpu.memref_slice %arg4[%add3A_26] : memref<327680xi32, #tpu.memory_space<hbm>> -> memref<128xi32, #tpu.memory_space<hbm>>
        %dma_wait3A_35 = tpu.memref_slice %arg4[%add3A_26] : memref<327680xi32, #tpu.memory_space<hbm>> -> memref<128xi32, #tpu.memory_space<hbm>>
        tpu.wait_dma2 semaphore(%run_scoped3A : memref<!tpu.dma_semaphore, #tpu.memory_space<semaphore_mem>>) src(%dma_wait3A_35 : memref<128xi32, #tpu.memory_space<hbm>>) dst(%arg9 : memref<128xi32, #tpu.memory_space<vmem>>)
        tpu.yield
      }) : () -> ()
      %dma_start3A = arith.constant 0 : i32
      %dma_start3A_27 = arith.constant 0 : i32
      %dma_start3A_28 = tpu.memref_slice %arg2[%dma_start3A, %dma_start3A_27] : memref<10000x128xf32, #tpu.memory_space<hbm>> -> memref<10000x128xf32, #tpu.memory_space<hbm>>
      tpu.enqueue_indirect_dma source(%dma_start3A_28 : memref<10000x128xf32, #tpu.memory_space<hbm>>) target(%arg10 : memref<128x128xf32, #tpu.memory_space<vmem>>) offsets(%arg8 : memref<128xi32, #tpu.memory_space<vmem>>) semaphore(%arg12 : memref<!tpu.dma_semaphore, #tpu.memory_space<semaphore_mem>>)
      %dma_wait3A = arith.constant 0 : i32
      %dma_wait3A_29 = arith.constant 0 : i32
      %dma_wait3A_30 = tpu.memref_slice %arg2[%dma_wait3A, %dma_wait3A_29] : memref<10000x128xf32, #tpu.memory_space<hbm>> -> memref<10000x128xf32, #tpu.memory_space<hbm>>
      tpu.wait_indirect_dma semaphore(%arg12 : memref<!tpu.dma_semaphore, #tpu.memory_space<semaphore_mem>>) src(%dma_wait3A_30 : memref<10000x128xf32, #tpu.memory_space<hbm>>) dst(%arg10 : memref<128x128xf32, #tpu.memory_space<vmem>>)
      "tpu.region"() ({
        %run_scoped3A = tpu.sem_alloc : memref<!tpu.dma_semaphore, #tpu.memory_space<semaphore_mem>>
        %dma_start3A_32 = arith.constant 0 : i32
        %dma_start3A_33 = arith.constant 0 : i32
        %dma_start3A_34 = tpu.memref_slice %arg11[%dma_start3A_32, %dma_start3A_33] : memref<10240x128xf32, #tpu.memory_space<vmem_shared>> -> memref<10240x128xf32, #tpu.memory_space<vmem_shared>>
        tpu.enqueue_indirect_dma source(%arg10 : memref<128x128xf32, #tpu.memory_space<vmem>>) target(%dma_start3A_34 : memref<10240x128xf32, #tpu.memory_space<vmem_shared>>) offsets(%arg9 : memref<128xi32, #tpu.memory_space<vmem>>) semaphore(%run_scoped3A : memref<!tpu.dma_semaphore, #tpu.memory_space<semaphore_mem>>) {add = true}
        %dma_wait3A_35 = arith.constant 0 : i32
        %dma_wait3A_36 = arith.constant 0 : i32
        %dma_wait3A_37 = tpu.memref_slice %arg11[%dma_wait3A_35, %dma_wait3A_36] : memref<10240x128xf32, #tpu.memory_space<vmem_shared>> -> memref<10240x128xf32, #tpu.memory_space<vmem_shared>>
        tpu.wait_indirect_dma semaphore(%run_scoped3A : memref<!tpu.dma_semaphore, #tpu.memory_space<semaphore_mem>>) src(%arg10 : memref<128x128xf32, #tpu.memory_space<vmem>>) dst(%dma_wait3A_37 : memref<10240x128xf32, #tpu.memory_space<vmem_shared>>)
        tpu.yield
      }) : () -> ()
      %scan3A_31 = arith.constant 0 : i32
      scf.yield %scan3A_31 : i32
    }
    %scan3A_10 = arith.constant 80 : i32
    %barrier3A_11 = arith.constant 0 : index
    tpu.barrier barrier_id(%barrier3A_11)
    %eq3A = arith.constant 0 : i32
    %eq3A_12 = arith.cmpi eq, %arg0, %eq3A : i32
    %convert_element_type3A = arith.extui %eq3A_12 : i1 to i32
    %cond3A = arith.constant 0 : i32
    %cond3A_13 = arith.cmpi ne, %convert_element_type3A, %cond3A : i32
    scf.if %cond3A_13 {
      "tpu.region"() ({
        %run_scoped3A = tpu.sem_alloc : memref<!tpu.dma_semaphore, #tpu.memory_space<semaphore_mem>>
        %dma_start3A = arith.constant 0 : i32
        %dma_start3A_19 = tpu.memref_slice %arg6[%mul3A_0, %dma_start3A] : memref<10240x128xf32, #tpu.memory_space<hbm>> -> memref<640x128xf32, #tpu.memory_space<hbm>>
        %dma_start3A_20 = arith.constant 0 : i32
        %dma_start3A_21 = tpu.memref_slice %arg11[%mul3A_0, %dma_start3A_20] : memref<10240x128xf32, #tpu.memory_space<vmem_shared>> -> memref<640x128xf32, #tpu.memory_space<vmem_shared>>
        tpu.enqueue_dma source(%dma_start3A_21 : memref<640x128xf32, #tpu.memory_space<vmem_shared>>) target(%dma_start3A_19 : memref<640x128xf32, #tpu.memory_space<hbm>>) target_semaphore(%run_scoped3A : memref<!tpu.dma_semaphore, #tpu.memory_space<semaphore_mem>>)
        %dma_wait3A = arith.constant 0 : i32
        %dma_wait3A_22 = tpu.memref_slice %arg6[%mul3A_0, %dma_wait3A] : memref<10240x128xf32, #tpu.memory_space<hbm>> -> memref<640x128xf32, #tpu.memory_space<hbm>>
        %dma_wait3A_23 = arith.constant 0 : i32
        %dma_wait3A_24 = tpu.memref_slice %arg11[%mul3A_0, %dma_wait3A_23] : memref<10240x128xf32, #tpu.memory_space<vmem_shared>> -> memref<640x128xf32, #tpu.memory_space<vmem_shared>>
        tpu.wait_dma2 semaphore(%run_scoped3A : memref<!tpu.dma_semaphore, #tpu.memory_space<semaphore_mem>>) src(%dma_wait3A_24 : memref<640x128xf32, #tpu.memory_space<vmem_shared>>) dst(%dma_wait3A_22 : memref<640x128xf32, #tpu.memory_space<hbm>>)
        tpu.yield
      }) : () -> ()
    } else {
    }
    %eq3A_14 = arith.constant 1 : i32
    %eq3A_15 = arith.cmpi eq, %arg0, %eq3A_14 : i32
    %convert_element_type3A_16 = arith.extui %eq3A_15 : i1 to i32
    %cond3A_17 = arith.constant 0 : i32
    %cond3A_18 = arith.cmpi ne, %convert_element_type3A_16, %cond3A_17 : i32
    scf.if %cond3A_18 {
      "tpu.region"() ({
        %run_scoped3A = tpu.sem_alloc : memref<!tpu.dma_semaphore, #tpu.memory_space<semaphore_mem>>
        %dma_start3A = arith.constant 0 : i32
        %dma_start3A_19 = tpu.memref_slice %arg7[%mul3A_0, %dma_start3A] : memref<10240x128xf32, #tpu.memory_space<hbm>> -> memref<640x128xf32, #tpu.memory_space<hbm>>
        %dma_start3A_20 = arith.constant 0 : i32
        %dma_start3A_21 = tpu.memref_slice %arg11[%mul3A_0, %dma_start3A_20] : memref<10240x128xf32, #tpu.memory_space<vmem_shared>> -> memref<640x128xf32, #tpu.memory_space<vmem_shared>>
        tpu.enqueue_dma source(%dma_start3A_21 : memref<640x128xf32, #tpu.memory_space<vmem_shared>>) target(%dma_start3A_19 : memref<640x128xf32, #tpu.memory_space<hbm>>) target_semaphore(%run_scoped3A : memref<!tpu.dma_semaphore, #tpu.memory_space<semaphore_mem>>)
        %dma_wait3A = arith.constant 0 : i32
        %dma_wait3A_22 = tpu.memref_slice %arg7[%mul3A_0, %dma_wait3A] : memref<10240x128xf32, #tpu.memory_space<hbm>> -> memref<640x128xf32, #tpu.memory_space<hbm>>
        %dma_wait3A_23 = arith.constant 0 : i32
        %dma_wait3A_24 = tpu.memref_slice %arg11[%mul3A_0, %dma_wait3A_23] : memref<10240x128xf32, #tpu.memory_space<vmem_shared>> -> memref<640x128xf32, #tpu.memory_space<vmem_shared>>
        tpu.wait_dma2 semaphore(%run_scoped3A : memref<!tpu.dma_semaphore, #tpu.memory_space<semaphore_mem>>) src(%dma_wait3A_24 : memref<640x128xf32, #tpu.memory_space<vmem_shared>>) dst(%dma_wait3A_22 : memref<640x128xf32, #tpu.memory_space<hbm>>)
        tpu.yield
      }) : () -> ()
    } else {
    }
    return
  }
}

#map = affine_map<(d0, d1) -> (0)>
module attributes {stable_mosaic.version = 14 : i64} {
  func.func @_deg_kernel(%arg0: i32, %arg1: i32, %arg2: memref<327680xi32, #tpu.memory_space<hbm>>, %arg3: memref<10240xf32, #tpu.memory_space<hbm>>, %arg4: memref<10240xf32, #tpu.memory_space<hbm>>, %arg5: memref<10240xf32, #tpu.memory_space<hbm>>, %arg6: memref<128xi32, #tpu.memory_space<vmem>>, %arg7: memref<128xf32, #tpu.memory_space<vmem>>, %arg8: memref<10240xf32, #tpu.memory_space<vmem_shared>>) attributes {dimension_semantics = [#tpu.dimension_semantics<core_parallel>, #tpu.dimension_semantics<subcore_parallel>], iteration_bounds = array<i64: 2, 16>, scalar_prefetch = 0 : i64, scratch_operands = 3 : i64, tpu.core_type = #tpu.core_type<sc_vector_subcore>, window_params = [{transform_indices = #map}, {transform_indices = #map}, {transform_indices = #map}, {transform_indices = #map}]} {
    %mul3A = arith.constant 640 : i32
    %mul3A_0 = arith.muli %arg1, %mul3A : i32
    "tpu.region"() ({
      %run_scoped3A = tpu.sem_alloc : memref<!tpu.dma_semaphore, #tpu.memory_space<semaphore_mem>>
      %dma_start3A = tpu.memref_slice %arg8[%mul3A_0] : memref<10240xf32, #tpu.memory_space<vmem_shared>> -> memref<640xf32, #tpu.memory_space<vmem_shared>>
      %dma_start3A_26 = tpu.memref_slice %arg3[%mul3A_0] : memref<10240xf32, #tpu.memory_space<hbm>> -> memref<640xf32, #tpu.memory_space<hbm>>
      tpu.enqueue_dma source(%dma_start3A_26 : memref<640xf32, #tpu.memory_space<hbm>>) target(%dma_start3A : memref<640xf32, #tpu.memory_space<vmem_shared>>) target_semaphore(%run_scoped3A : memref<!tpu.dma_semaphore, #tpu.memory_space<semaphore_mem>>)
      %dma_wait3A = tpu.memref_slice %arg8[%mul3A_0] : memref<10240xf32, #tpu.memory_space<vmem_shared>> -> memref<640xf32, #tpu.memory_space<vmem_shared>>
      %dma_wait3A_27 = tpu.memref_slice %arg3[%mul3A_0] : memref<10240xf32, #tpu.memory_space<hbm>> -> memref<640xf32, #tpu.memory_space<hbm>>
      tpu.wait_dma2 semaphore(%run_scoped3A : memref<!tpu.dma_semaphore, #tpu.memory_space<semaphore_mem>>) src(%dma_wait3A_27 : memref<640xf32, #tpu.memory_space<hbm>>) dst(%dma_wait3A : memref<640xf32, #tpu.memory_space<vmem_shared>>)
      tpu.yield
    }) : () -> ()
    %scan3A = arith.constant 0 : i32
    %scan3A_1 = arith.constant 0 : i32
    %scan3A_2 = arith.constant 8 : i32
    %scan3A_3 = arith.addi %scan3A_1, %scan3A_2 : i32
    %scan3A_4 = arith.constant 1 : i32
    %scan3A_5 = scf.for %scan3A_26 = %scan3A_1 to %scan3A_3 step %scan3A_4 iter_args(%scan3A_27 = %scan3A) -> (i32)  : i32 {
      %broadcast_in_dim3A = arith.constant 1.000000e+00 : f32
      %broadcast_in_dim3A_28 = vector.broadcast %broadcast_in_dim3A : f32 to vector<16xf32>
      %mul3A_29 = arith.constant 16 : i32
      %mul3A_30 = arith.muli %scan3A_26, %mul3A_29 : i32
      %swap3A = arith.index_cast %mul3A_30 : i32 to index
      %swap3A_31 = tpu.vector_load %arg7[%swap3A] {strides = array<i32>} : memref<128xf32, #tpu.memory_space<vmem>>, vector<16xf32>,
      %swap3A_32 = vector.shape_cast %swap3A_31 : vector<16xf32> to vector<16xf32>
      %swap3A_33 = vector.shape_cast %broadcast_in_dim3A_28 : vector<16xf32> to vector<16xf32>
      tpu.vector_store %arg7[%swap3A], %swap3A_33 {strides = array<i32>} : memref<128xf32, #tpu.memory_space<vmem>>, vector<16xf32>,
      %scan3A_34 = arith.constant 0 : i32
      scf.yield %scan3A_34 : i32
    }
    %scan3A_6 = arith.constant 8 : i32
    %barrier3A = arith.constant 0 : index
    tpu.barrier barrier_id(%barrier3A)
    %mul3A_7 = arith.constant 163840 : i32
    %mul3A_8 = arith.muli %arg0, %mul3A_7 : i32
    %mul3A_9 = arith.constant 10240 : i32
    %mul3A_10 = arith.muli %arg1, %mul3A_9 : i32
    %add3A = arith.addi %mul3A_8, %mul3A_10 : i32
    %scan3A_11 = arith.constant 0 : i32
    %scan3A_12 = arith.constant 0 : i32
    %scan3A_13 = arith.constant 80 : i32
    %scan3A_14 = arith.addi %scan3A_12, %scan3A_13 : i32
    %scan3A_15 = arith.constant 1 : i32
    %scan3A_16 = scf.for %scan3A_26 = %scan3A_12 to %scan3A_14 step %scan3A_15 iter_args(%scan3A_27 = %scan3A_11) -> (i32)  : i32 {
      %mul3A_28 = arith.constant 128 : i32
      %mul3A_29 = arith.muli %scan3A_26, %mul3A_28 : i32
      %add3A_30 = arith.addi %add3A, %mul3A_29 : i32
      "tpu.region"() ({
        %run_scoped3A = tpu.sem_alloc : memref<!tpu.dma_semaphore, #tpu.memory_space<semaphore_mem>>
        %dma_start3A = tpu.memref_slice %arg2[%add3A_30] : memref<327680xi32, #tpu.memory_space<hbm>> -> memref<128xi32, #tpu.memory_space<hbm>>
        %dma_start3A_32 = tpu.memref_slice %arg2[%add3A_30] : memref<327680xi32, #tpu.memory_space<hbm>> -> memref<128xi32, #tpu.memory_space<hbm>>
        tpu.enqueue_dma source(%dma_start3A_32 : memref<128xi32, #tpu.memory_space<hbm>>) target(%arg6 : memref<128xi32, #tpu.memory_space<vmem>>) target_semaphore(%run_scoped3A : memref<!tpu.dma_semaphore, #tpu.memory_space<semaphore_mem>>)
        %dma_wait3A = tpu.memref_slice %arg2[%add3A_30] : memref<327680xi32, #tpu.memory_space<hbm>> -> memref<128xi32, #tpu.memory_space<hbm>>
        %dma_wait3A_33 = tpu.memref_slice %arg2[%add3A_30] : memref<327680xi32, #tpu.memory_space<hbm>> -> memref<128xi32, #tpu.memory_space<hbm>>
        tpu.wait_dma2 semaphore(%run_scoped3A : memref<!tpu.dma_semaphore, #tpu.memory_space<semaphore_mem>>) src(%dma_wait3A_33 : memref<128xi32, #tpu.memory_space<hbm>>) dst(%arg6 : memref<128xi32, #tpu.memory_space<vmem>>)
        tpu.yield
      }) : () -> ()
      "tpu.region"() ({
        %run_scoped3A = tpu.sem_alloc : memref<!tpu.dma_semaphore, #tpu.memory_space<semaphore_mem>>
        %dma_start3A = arith.constant 0 : i32
        %dma_start3A_32 = tpu.memref_slice %arg8[%dma_start3A] : memref<10240xf32, #tpu.memory_space<vmem_shared>> -> memref<10240xf32, #tpu.memory_space<vmem_shared>>
        tpu.enqueue_indirect_dma source(%arg7 : memref<128xf32, #tpu.memory_space<vmem>>) target(%dma_start3A_32 : memref<10240xf32, #tpu.memory_space<vmem_shared>>) offsets(%arg6 : memref<128xi32, #tpu.memory_space<vmem>>) semaphore(%run_scoped3A : memref<!tpu.dma_semaphore, #tpu.memory_space<semaphore_mem>>) {add = true}
        %dma_wait3A = arith.constant 0 : i32
        %dma_wait3A_33 = tpu.memref_slice %arg8[%dma_wait3A] : memref<10240xf32, #tpu.memory_space<vmem_shared>> -> memref<10240xf32, #tpu.memory_space<vmem_shared>>
        tpu.wait_indirect_dma semaphore(%run_scoped3A : memref<!tpu.dma_semaphore, #tpu.memory_space<semaphore_mem>>) src(%arg7 : memref<128xf32, #tpu.memory_space<vmem>>) dst(%dma_wait3A_33 : memref<10240xf32, #tpu.memory_space<vmem_shared>>)
        tpu.yield
      }) : () -> ()
      %scan3A_31 = arith.constant 0 : i32
      scf.yield %scan3A_31 : i32
    }
    %scan3A_17 = arith.constant 80 : i32
    %barrier3A_18 = arith.constant 0 : index
    tpu.barrier barrier_id(%barrier3A_18)
    %eq3A = arith.constant 0 : i32
    %eq3A_19 = arith.cmpi eq, %arg0, %eq3A : i32
    %convert_element_type3A = arith.extui %eq3A_19 : i1 to i32
    %cond3A = arith.constant 0 : i32
    %cond3A_20 = arith.cmpi ne, %convert_element_type3A, %cond3A : i32
    scf.if %cond3A_20 {
      "tpu.region"() ({
        %run_scoped3A = tpu.sem_alloc : memref<!tpu.dma_semaphore, #tpu.memory_space<semaphore_mem>>
        %dma_start3A = tpu.memref_slice %arg4[%mul3A_0] : memref<10240xf32, #tpu.memory_space<hbm>> -> memref<640xf32, #tpu.memory_space<hbm>>
        %dma_start3A_26 = tpu.memref_slice %arg8[%mul3A_0] : memref<10240xf32, #tpu.memory_space<vmem_shared>> -> memref<640xf32, #tpu.memory_space<vmem_shared>>
        tpu.enqueue_dma source(%dma_start3A_26 : memref<640xf32, #tpu.memory_space<vmem_shared>>) target(%dma_start3A : memref<640xf32, #tpu.memory_space<hbm>>) target_semaphore(%run_scoped3A : memref<!tpu.dma_semaphore, #tpu.memory_space<semaphore_mem>>)
        %dma_wait3A = tpu.memref_slice %arg4[%mul3A_0] : memref<10240xf32, #tpu.memory_space<hbm>> -> memref<640xf32, #tpu.memory_space<hbm>>
        %dma_wait3A_27 = tpu.memref_slice %arg8[%mul3A_0] : memref<10240xf32, #tpu.memory_space<vmem_shared>> -> memref<640xf32, #tpu.memory_space<vmem_shared>>
        tpu.wait_dma2 semaphore(%run_scoped3A : memref<!tpu.dma_semaphore, #tpu.memory_space<semaphore_mem>>) src(%dma_wait3A_27 : memref<640xf32, #tpu.memory_space<vmem_shared>>) dst(%dma_wait3A : memref<640xf32, #tpu.memory_space<hbm>>)
        tpu.yield
      }) : () -> ()
    } else {
    }
    %eq3A_21 = arith.constant 1 : i32
    %eq3A_22 = arith.cmpi eq, %arg0, %eq3A_21 : i32
    %convert_element_type3A_23 = arith.extui %eq3A_22 : i1 to i32
    %cond3A_24 = arith.constant 0 : i32
    %cond3A_25 = arith.cmpi ne, %convert_element_type3A_23, %cond3A_24 : i32
    scf.if %cond3A_25 {
      "tpu.region"() ({
        %run_scoped3A = tpu.sem_alloc : memref<!tpu.dma_semaphore, #tpu.memory_space<semaphore_mem>>
        %dma_start3A = tpu.memref_slice %arg5[%mul3A_0] : memref<10240xf32, #tpu.memory_space<hbm>> -> memref<640xf32, #tpu.memory_space<hbm>>
        %dma_start3A_26 = tpu.memref_slice %arg8[%mul3A_0] : memref<10240xf32, #tpu.memory_space<vmem_shared>> -> memref<640xf32, #tpu.memory_space<vmem_shared>>
        tpu.enqueue_dma source(%dma_start3A_26 : memref<640xf32, #tpu.memory_space<vmem_shared>>) target(%dma_start3A : memref<640xf32, #tpu.memory_space<hbm>>) target_semaphore(%run_scoped3A : memref<!tpu.dma_semaphore, #tpu.memory_space<semaphore_mem>>)
        %dma_wait3A = tpu.memref_slice %arg5[%mul3A_0] : memref<10240xf32, #tpu.memory_space<hbm>> -> memref<640xf32, #tpu.memory_space<hbm>>
        %dma_wait3A_27 = tpu.memref_slice %arg8[%mul3A_0] : memref<10240xf32, #tpu.memory_space<vmem_shared>> -> memref<640xf32, #tpu.memory_space<vmem_shared>>
        tpu.wait_dma2 semaphore(%run_scoped3A : memref<!tpu.dma_semaphore, #tpu.memory_space<semaphore_mem>>) src(%dma_wait3A_27 : memref<640xf32, #tpu.memory_space<vmem_shared>>) dst(%dma_wait3A : memref<640xf32, #tpu.memory_space<hbm>>)
        tpu.yield
      }) : () -> ()
    } else {
    }
    return
  }
}

module attributes {stable_mosaic.version = 14 : i64} {
  func.func @_scale_body(%arg0: i32, %arg1: memref<2000x128xf32, #tpu.memory_space<vmem>>, %arg2: memref<2000x1xf32, #tpu.memory_space<vmem>>, %arg3: memref<2000x1xf32, #tpu.memory_space<vmem>>, %arg4: memref<2000x128xf32, #tpu.memory_space<vmem>>) attributes {dimension_semantics = [#tpu.dimension_semantics<arbitrary>], iteration_bounds = array<i64: 5>, scalar_prefetch = 0 : i64, scratch_operands = 0 : i64, tpu.core_type = #tpu.core_type<tc>, window_params = [{transform_indices = @transform_0, window_bounds = array<i64: 2000, 128>}, {transform_indices = @transform_1, window_bounds = array<i64: 2000, 1>}, {transform_indices = @transform_2, window_bounds = array<i64: 2000, 1>}, {transform_indices = @transform_3, window_bounds = array<i64: 2000, 128>}]} {
    %get3A = arith.constant 0 : index
    %get3A_0 = arith.constant 0 : index
    %get3A_1 = vector.load %arg2[%get3A, %get3A_0] : memref<2000x1xf32, #tpu.memory_space<vmem>>, vector<2000x1xf32>
    %get3A_2 = arith.constant 0 : index
    %get3A_3 = arith.constant 0 : index
    %get3A_4 = vector.load %arg3[%get3A_2, %get3A_3] : memref<2000x1xf32, #tpu.memory_space<vmem>>, vector<2000x1xf32>
    %add3A = arith.addf %get3A_1, %get3A_4 : vector<2000x1xf32>
    %add3A_5 = arith.constant 1.000000e+00 : f32
    %add3A_6 = vector.broadcast %add3A_5 : f32 to vector<2000x1xf32>
    %add3A_7 = arith.addf %add3A, %add3A_6 : vector<2000x1xf32>
    %get3A_8 = arith.constant 0 : index
    %get3A_9 = arith.constant 0 : index
    %get3A_10 = vector.load %arg1[%get3A_8, %get3A_9] : memref<2000x128xf32, #tpu.memory_space<vmem>>, vector<2000x128xf32>
    %rsqrt3A = math.rsqrt %add3A_7 : vector<2000x1xf32>
    %mul3A = vector.broadcast %rsqrt3A : vector<2000x1xf32> to vector<2000x128xf32>
    %mul3A_11 = arith.mulf %get3A_10, %mul3A : vector<2000x128xf32>
    %swap3A = arith.constant 0 : index
    %swap3A_12 = arith.constant 0 : index
    %swap3A_13 = vector.load %arg4[%swap3A, %swap3A_12] : memref<2000x128xf32, #tpu.memory_space<vmem>>, vector<2000x128xf32>
    tpu.vector_store %arg4[%swap3A, %swap3A_12], %mul3A_11 {strides = array<i32>} : memref<2000x128xf32, #tpu.memory_space<vmem>>, vector<2000x128xf32>,
    return
  }
  func.func @transform_0(%arg0: i32) -> (i32, i32) {
    %c0_i32 = arith.constant 0 : i32
    %c0_i32_0 = arith.constant 0 : i32
    return %arg0, %c0_i32 : i32, i32
  }
  func.func @transform_1(%arg0: i32) -> (i32, i32) {
    %c0_i32 = arith.constant 0 : i32
    %c0_i32_0 = arith.constant 0 : i32
    return %arg0, %c0_i32 : i32, i32
  }
  func.func @transform_2(%arg0: i32) -> (i32, i32) {
    %c0_i32 = arith.constant 0 : i32
    %c0_i32_0 = arith.constant 0 : i32
    return %arg0, %c0_i32 : i32, i32
  }
  func.func @transform_3(%arg0: i32) -> (i32, i32) {
    %c0_i32 = arith.constant 0 : i32
    %c0_i32_0 = arith.constant 0 : i32
    return %arg0, %c0_i32 : i32, i32
  }
}

module attributes {stable_mosaic.version = 14 : i64} {
  func.func @_out_body(%arg0: i32, %arg1: memref<2000x128xf32, #tpu.memory_space<vmem>>, %arg2: memref<2000x128xf32, #tpu.memory_space<vmem>>, %arg3: memref<2000x128xf32, #tpu.memory_space<vmem>>, %arg4: memref<2000x1xf32, #tpu.memory_space<vmem>>, %arg5: memref<2000x1xf32, #tpu.memory_space<vmem>>, %arg6: memref<128x128xf32, #tpu.memory_space<vmem>>, %arg7: memref<1x128xf32, #tpu.memory_space<vmem>>, %arg8: memref<2000x128xf32, #tpu.memory_space<vmem>>) attributes {dimension_semantics = [#tpu.dimension_semantics<arbitrary>], iteration_bounds = array<i64: 5>, scalar_prefetch = 0 : i64, scratch_operands = 0 : i64, tpu.core_type = #tpu.core_type<tc>, window_params = [{transform_indices = @transform_0, window_bounds = array<i64: 2000, 128>}, {transform_indices = @transform_1, window_bounds = array<i64: 2000, 128>}, {transform_indices = @transform_2, window_bounds = array<i64: 2000, 128>}, {transform_indices = @transform_3, window_bounds = array<i64: 2000, 1>}, {transform_indices = @transform_4, window_bounds = array<i64: 2000, 1>}, {pipeline_mode = #tpu.pipeline_mode<synchronous>, transform_indices = @transform_5, window_bounds = array<i64: 128, 128>}, {pipeline_mode = #tpu.pipeline_mode<synchronous>, transform_indices = @transform_6, window_bounds = array<i64: 1, 128>}, {transform_indices = @transform_7, window_bounds = array<i64: 2000, 128>}]} {
    %get3A = arith.constant 0 : index
    %get3A_0 = arith.constant 0 : index
    %get3A_1 = vector.load %arg4[%get3A, %get3A_0] : memref<2000x1xf32, #tpu.memory_space<vmem>>, vector<2000x1xf32>
    %get3A_2 = arith.constant 0 : index
    %get3A_3 = arith.constant 0 : index
    %get3A_4 = vector.load %arg5[%get3A_2, %get3A_3] : memref<2000x1xf32, #tpu.memory_space<vmem>>, vector<2000x1xf32>
    %add3A = arith.addf %get3A_1, %get3A_4 : vector<2000x1xf32>
    %add3A_5 = arith.constant 1.000000e+00 : f32
    %add3A_6 = vector.broadcast %add3A_5 : f32 to vector<2000x1xf32>
    %add3A_7 = arith.addf %add3A, %add3A_6 : vector<2000x1xf32>
    %get3A_8 = arith.constant 0 : index
    %get3A_9 = arith.constant 0 : index
    %get3A_10 = vector.load %arg1[%get3A_8, %get3A_9] : memref<2000x128xf32, #tpu.memory_space<vmem>>, vector<2000x128xf32>
    %get3A_11 = arith.constant 0 : index
    %get3A_12 = arith.constant 0 : index
    %get3A_13 = vector.load %arg2[%get3A_11, %get3A_12] : memref<2000x128xf32, #tpu.memory_space<vmem>>, vector<2000x128xf32>
    %add3A_14 = arith.addf %get3A_10, %get3A_13 : vector<2000x128xf32>
    %get3A_15 = arith.constant 0 : index
    %get3A_16 = arith.constant 0 : index
    %get3A_17 = vector.load %arg3[%get3A_15, %get3A_16] : memref<2000x128xf32, #tpu.memory_space<vmem>>, vector<2000x128xf32>
    %add3A_18 = arith.addf %add3A_14, %get3A_17 : vector<2000x128xf32>
    %rsqrt3A = math.rsqrt %add3A_7 : vector<2000x1xf32>
    %mul3A = vector.broadcast %rsqrt3A : vector<2000x1xf32> to vector<2000x128xf32>
    %mul3A_19 = arith.mulf %add3A_18, %mul3A : vector<2000x128xf32>
    %get3A_20 = arith.constant 0 : index
    %get3A_21 = arith.constant 0 : index
    %get3A_22 = vector.load %arg6[%get3A_20, %get3A_21] : memref<128x128xf32, #tpu.memory_space<vmem>>, vector<128x128xf32>
    %dot_general3A = arith.constant dense<0.000000e+00> : vector<2000x128xf32>
    %dot_general3A_23 = tpu.matmul %mul3A_19, %get3A_22, %dot_general3A {dimension_numbers = #tpu.dot_dimension_numbers<[1], [0], [0], [1], [0, 0, 1, 1], [], []>, transpose_lhs_hint = false} : vector<2000x128xf32>, vector<128x128xf32>, vector<2000x128xf32> -> vector<2000x128xf32>
    %get3A_24 = arith.constant 0 : index
    %get3A_25 = arith.constant 0 : index
    %get3A_26 = vector.load %arg7[%get3A_24, %get3A_25] : memref<1x128xf32, #tpu.memory_space<vmem>>, vector<1x128xf32>
    %add3A_27 = vector.broadcast %get3A_26 : vector<1x128xf32> to vector<2000x128xf32>
    %add3A_28 = arith.addf %dot_general3A_23, %add3A_27 : vector<2000x128xf32>
    %swap3A = arith.constant 0 : index
    %swap3A_29 = arith.constant 0 : index
    %swap3A_30 = vector.load %arg8[%swap3A, %swap3A_29] : memref<2000x128xf32, #tpu.memory_space<vmem>>, vector<2000x128xf32>
    tpu.vector_store %arg8[%swap3A, %swap3A_29], %add3A_28 {strides = array<i32>} : memref<2000x128xf32, #tpu.memory_space<vmem>>, vector<2000x128xf32>,
    return
  }
  func.func @transform_0(%arg0: i32) -> (i32, i32) {
    %c0_i32 = arith.constant 0 : i32
    %c0_i32_0 = arith.constant 0 : i32
    return %arg0, %c0_i32 : i32, i32
  }
  func.func @transform_1(%arg0: i32) -> (i32, i32) {
    %c0_i32 = arith.constant 0 : i32
    %c0_i32_0 = arith.constant 0 : i32
    return %arg0, %c0_i32 : i32, i32
  }
  func.func @transform_2(%arg0: i32) -> (i32, i32) {
    %c0_i32 = arith.constant 0 : i32
    %c0_i32_0 = arith.constant 0 : i32
    return %arg0, %c0_i32 : i32, i32
  }
  func.func @transform_3(%arg0: i32) -> (i32, i32) {
    %c0_i32 = arith.constant 0 : i32
    %c0_i32_0 = arith.constant 0 : i32
    return %arg0, %c0_i32 : i32, i32
  }
  func.func @transform_4(%arg0: i32) -> (i32, i32) {
    %c0_i32 = arith.constant 0 : i32
    %c0_i32_0 = arith.constant 0 : i32
    return %arg0, %c0_i32 : i32, i32
  }
  func.func @transform_5(%arg0: i32) -> (i32, i32) {
    %c0_i32 = arith.constant 0 : i32
    %c0_i32_0 = arith.constant 0 : i32
    %c0_i32_1 = arith.constant 0 : i32
    return %c0_i32, %c0_i32_0 : i32, i32
  }
  func.func @transform_6(%arg0: i32) -> (i32, i32) {
    %c0_i32 = arith.constant 0 : i32
    %c0_i32_0 = arith.constant 0 : i32
    %c0_i32_1 = arith.constant 0 : i32
    return %c0_i32, %c0_i32_0 : i32, i32
  }
  func.func @transform_7(%arg0: i32) -> (i32, i32) {
    %c0_i32 = arith.constant 0 : i32
    %c0_i32_0 = arith.constant 0 : i32
    return %arg0, %c0_i32 : i32, i32
  }
}

module attributes {stable_mosaic.version = 14 : i64} {
  func.func @_mid_body(%arg0: i32, %arg1: memref<2000x128xf32, #tpu.memory_space<vmem>>, %arg2: memref<2000x128xf32, #tpu.memory_space<vmem>>, %arg3: memref<2000x128xf32, #tpu.memory_space<vmem>>, %arg4: memref<2000x1xf32, #tpu.memory_space<vmem>>, %arg5: memref<2000x1xf32, #tpu.memory_space<vmem>>, %arg6: memref<2000x128xf32, #tpu.memory_space<vmem>>) attributes {dimension_semantics = [#tpu.dimension_semantics<arbitrary>], iteration_bounds = array<i64: 5>, scalar_prefetch = 0 : i64, scratch_operands = 0 : i64, tpu.core_type = #tpu.core_type<tc>, window_params = [{transform_indices = @transform_0, window_bounds = array<i64: 2000, 128>}, {transform_indices = @transform_1, window_bounds = array<i64: 2000, 128>}, {transform_indices = @transform_2, window_bounds = array<i64: 2000, 128>}, {transform_indices = @transform_3, window_bounds = array<i64: 2000, 1>}, {transform_indices = @transform_4, window_bounds = array<i64: 2000, 1>}, {transform_indices = @transform_5, window_bounds = array<i64: 2000, 128>}]} {
    %get3A = arith.constant 0 : index
    %get3A_0 = arith.constant 0 : index
    %get3A_1 = vector.load %arg4[%get3A, %get3A_0] : memref<2000x1xf32, #tpu.memory_space<vmem>>, vector<2000x1xf32>
    %get3A_2 = arith.constant 0 : index
    %get3A_3 = arith.constant 0 : index
    %get3A_4 = vector.load %arg5[%get3A_2, %get3A_3] : memref<2000x1xf32, #tpu.memory_space<vmem>>, vector<2000x1xf32>
    %add3A = arith.addf %get3A_1, %get3A_4 : vector<2000x1xf32>
    %add3A_5 = arith.constant 1.000000e+00 : f32
    %add3A_6 = vector.broadcast %add3A_5 : f32 to vector<2000x1xf32>
    %add3A_7 = arith.addf %add3A, %add3A_6 : vector<2000x1xf32>
    %get3A_8 = arith.constant 0 : index
    %get3A_9 = arith.constant 0 : index
    %get3A_10 = vector.load %arg1[%get3A_8, %get3A_9] : memref<2000x128xf32, #tpu.memory_space<vmem>>, vector<2000x128xf32>
    %get3A_11 = arith.constant 0 : index
    %get3A_12 = arith.constant 0 : index
    %get3A_13 = vector.load %arg2[%get3A_11, %get3A_12] : memref<2000x128xf32, #tpu.memory_space<vmem>>, vector<2000x128xf32>
    %add3A_14 = arith.addf %get3A_10, %get3A_13 : vector<2000x128xf32>
    %get3A_15 = arith.constant 0 : index
    %get3A_16 = arith.constant 0 : index
    %get3A_17 = vector.load %arg3[%get3A_15, %get3A_16] : memref<2000x128xf32, #tpu.memory_space<vmem>>, vector<2000x128xf32>
    %add3A_18 = arith.addf %add3A_14, %get3A_17 : vector<2000x128xf32>
    %div3A = vector.broadcast %add3A_7 : vector<2000x1xf32> to vector<2000x128xf32>
    %div3A_19 = arith.divf %add3A_18, %div3A : vector<2000x128xf32>
    %swap3A = arith.constant 0 : index
    %swap3A_20 = arith.constant 0 : index
    %swap3A_21 = vector.load %arg6[%swap3A, %swap3A_20] : memref<2000x128xf32, #tpu.memory_space<vmem>>, vector<2000x128xf32>
    tpu.vector_store %arg6[%swap3A, %swap3A_20], %div3A_19 {strides = array<i32>} : memref<2000x128xf32, #tpu.memory_space<vmem>>, vector<2000x128xf32>,
    return
  }
  func.func @transform_0(%arg0: i32) -> (i32, i32) {
    %c0_i32 = arith.constant 0 : i32
    %c0_i32_0 = arith.constant 0 : i32
    return %arg0, %c0_i32 : i32, i32
  }
  func.func @transform_1(%arg0: i32) -> (i32, i32) {
    %c0_i32 = arith.constant 0 : i32
    %c0_i32_0 = arith.constant 0 : i32
    return %arg0, %c0_i32 : i32, i32
  }
  func.func @transform_2(%arg0: i32) -> (i32, i32) {
    %c0_i32 = arith.constant 0 : i32
    %c0_i32_0 = arith.constant 0 : i32
    return %arg0, %c0_i32 : i32, i32
  }
  func.func @transform_3(%arg0: i32) -> (i32, i32) {
    %c0_i32 = arith.constant 0 : i32
    %c0_i32_0 = arith.constant 0 : i32
    return %arg0, %c0_i32 : i32, i32
  }
  func.func @transform_4(%arg0: i32) -> (i32, i32) {
    %c0_i32 = arith.constant 0 : i32
    %c0_i32_0 = arith.constant 0 : i32
    return %arg0, %c0_i32 : i32, i32
  }
  func.func @transform_5(%arg0: i32) -> (i32, i32) {
    %c0_i32 = arith.constant 0 : i32
    %c0_i32_0 = arith.constant 0 : i32
    return %arg0, %c0_i32 : i32, i32
  }
}

</mosaic_0001>

<sc_bundles>
// kernel: kernel.11.cloned.1.call-start
scs
__scs_entry_jumppad:
0x0: {  	(pc) =	sbr.rel $0x88, $3  }
0x1: {  	(tag) =	ssettag $0x0;
	lr =	simm.s32 $0x1  }
0x2: {  	[smem:$0x3F9D] =	sst lr;
	_ =	strace $0xD0000000  }
0x3: {  	_ = 	snop  }
0x4: {  	_ = 	snop  }
0x5: {  	_ = 	snop  }
0x6: {  	_ = 	snop  }
0x7: {  	_ = 	snop  }
__scs_overlays_trampoline_lowered:
0x8: {  	[smem:$0x3FAC] =	sst s0  }
0x9: {  	[smem:$0x3FAD] =	sst s1  }
0xa: {  	[smem:$0x3FAE] =	sst s2  }
0xb: {  	[smem:$0x3FAF] =	sst s3  }
0xc: {  	[smem:$0x3FB0] =	sst s4  }
0xd: {  	[smem:$0x3FB1] =	sst s5  }
0xe: {  	[smem:$0x3FB2] =	sst s6  }
0xf: {  	[smem:$0x3FB3] =	sst s7  }
0x10: {  	[smem:$0x3FB4] =	sst s8  }
0x11: {  	[smem:$0x3FB5] =	sst s9;
	s0 =	simm.s32 @!p0 $0x0  }
0x12: {  	s1 =	sld [smem:$0x3F9B];
	s0 =	simm.s32 @p0 $0x1  }
0x13: {  	[smem:$0x3FB6] =	sst s0;
	s0 =	simm.s32 @!p1 $0x0  }
0x14: {  	s2 =	sld [smem:$0x3F9A];
	s0 =	simm.s32 @p1 $0x1  }
0x15: {  	[smem:$0x3FB7] =	sst s0;
	s0 =	simm.s32 @!p2 $0x0  }
0x16: {  	s3 =	sld [smem:$0x3FDB];
	s0 =	simm.s32 @p2 $0x1  }
0x17: {  	s4 =	simm.s32 $0x1BF5;
	[smem:$0x3FB9] =	sst s0  }
0x18: {  	s0 =	sld [smem:$0x3F9C];
	_ =	swait.ge [sflag:s4], $0x0  }
0x19: {  	s7 =	sld [smem:$0x3F9D]  }
0x1a: {  	s8 =	sadd.s32 $0xFFFFE003, lr  }
0x1b: {  	s9 =	sadd.s32 $0xFFFFFEF7, lr;
	s5 =	simm.s32 $0xFFFFFFFF;
	p2 =	slt.u32 s8, $0xFFFFF086  }
0x1c: {  	p1 =	slt.u32 s9, $0xF7A;
	s5 =	simm.s32 @!p2 $0x0  }
0x1d: {  	s5 =	simm.s32 @p1 $0x1;
	p0 =	seq.s32 s7, s2  }
0x1e: {  	s7 =	smul.u32 @!p0 $0xF7A, s2;
	p2 =	seq.s32 @!p0 s5, $0x0  }
0x1f: {  	s9 =	smul.u32 $0xF7A, s1;
	s8 =	simm.s32 @!p0 $0x1BF5;
	p2 =	por !p2, p0  }
0x20: {  	[sflag:s8] =	ssyncset.s32 @!p0 $0xFFFFF086;
	s6 =	sadd.s32 @!p0 s3, s7;
	s7 =	simm.s32 @!p0 $0x108  }
0x21: {  	s3 =	sadd.s32 s3, s9;
	s6 =	sadd.s32 @!p0 $0x88, s6;
	s7 =	simm.s32 @p2 $0x1082  }
0x22: {  	[simem:s7], [sflag:s8] =	dma.local @!p0 [hbm:s6], $0xF7A  }
0x23: {  	s9 =	sor.u32 $0xD0000000, s2;
	s6 =	simm.s32 $0x108;
	_ =	swait.ge @!p0 [sflag:s8], $0x0  }
0x24: {  	s3 =	sadd.s32 $0x88, s3;
	s6 =	simm.s32 @!p1 $0x1082;
	[sflag:s4] =	ssyncset.s32 $0xFFFFF086  }
0x25: {  	[simem:s6], [sflag:s4] =	dma.local [hbm:s3], $0xF7A  }
0x26: {  	[smem:$0x3F9D] =	sst s1;
	(tag) =	ssettag s2;
	_ =	strace s9  }
0x27: {  	s1 =	sld [smem:$0x3FAD]  }
0x28: {  	s2 =	sld [smem:$0x3FAE]  }
0x29: {  	s4 =	sld [smem:$0x3FB0]  }
0x2a: {  	p0 =	seq.s32 s5, $0x0;
	s5 =	sld [smem:$0x3FB1]  }
0x2b: {  	s6 =	sld [smem:$0x3FB2]  }
0x2c: {  	s7 =	sld [smem:$0x3FB3]  }
0x2d: {  	s3 =	simm.s32 $0x108;
	s8 =	sld [smem:$0x3FB4]  }
0x2e: {  	s3 =	simm.s32 @!p0 $0x1082;
	s9 =	sld [smem:$0x3FB5]  }
0x2f: {  	lr =	sadd.s32 s0, s3;
	s0 =	sld [smem:$0x3FAC]  }
0x30: {  	s3 =	sld [smem:$0x3FAF]  }
0x31: {  	[smem:$0x3FB8] =	sst s10  }
0x32: {  	s10 =	sld [smem:$0x3FB6];
	_ =	sdelay $0x3  }
0x33: {  	p0 =	seq.s32 s10, $0x1;
	s10 =	sld [smem:$0x3FB8];
	_ =	sdelay $0x3  }
0x34: {  	[smem:$0x3FB8] =	sst s10  }
0x35: {  	s10 =	sld [smem:$0x3FB7];
	_ =	sdelay $0x3  }
0x36: {  	p1 =	seq.s32 s10, $0x1;
	s10 =	sld [smem:$0x3FB8];
	_ =	sdelay $0x3  }
0x37: {  	[smem:$0x3FB8] =	sst s10  }
0x38: {  	s10 =	sld [smem:$0x3FB9]  }
0x39: {  	_ = 	snop;
	(pc) =	sbr.ind lr, $3  }
0x3a: {  	_ = 	snop  }
0x3b: {  	_ = 	snop  }
0x3c: {  	p2 =	seq.s32 s10, $0x1;
	s10 =	sld [smem:$0x3FB8]  }
0x3d: {  	_ =	shalt  }
0x3e: {  	_ =	shalt  }
0x3f: {  	_ =	shalt  }
0x40: {  	_ =	shalt  }
0x41: {  	_ =	shalt  }
0x42: {  	_ =	shalt  }
0x43: {  	_ =	shalt  }
0x44: {  	_ =	shalt  }
0x45: {  	_ =	shalt  }
0x46: {  	_ =	shalt  }
0x47: {  	_ =	shalt  }
0x48: {  	_ =	shalt  }
0x49: {  	_ =	shalt  }
0x4a: {  	_ =	shalt  }
0x4b: {  	_ =	shalt  }
0x4c: {  	_ =	shalt  }
0x4d: {  	_ =	shalt  }
0x4e: {  	_ =	shalt  }
0x4f: {  	_ =	shalt  }
0x50: {  	_ =	shalt  }
0x51: {  	_ =	shalt  }
0x52: {  	_ =	shalt  }
0x53: {  	_ =	shalt  }
0x54: {  	_ =	shalt  }
0x55: {  	_ =	shalt  }
0x56: {  	_ =	shalt  }
0x57: {  	_ =	shalt  }
0x58: {  	_ =	shalt  }
0x59: {  	_ =	shalt  }
0x5a: {  	_ =	shalt  }
0x5b: {  	_ =	shalt  }
0x5c: {  	_ =	shalt  }
0x5d: {  	_ =	shalt  }
0x5e: {  	_ =	shalt  }
0x5f: {  	_ =	shalt  }
0x60: {  	_ =	shalt  }
0x61: {  	_ =	shalt  }
0x62: {  	_ =	shalt  }
0x63: {  	_ =	shalt  }
0x64: {  	_ =	shalt  }
0x65: {  	_ =	shalt  }
0x66: {  	_ =	shalt  }
0x67: {  	_ =	shalt  }
0x68: {  	_ =	shalt  }
0x69: {  	_ =	shalt  }
0x6a: {  	_ =	shalt  }
0x6b: {  	_ =	shalt  }
0x6c: {  	_ =	shalt  }
0x6d: {  	_ =	shalt  }
0x6e: {  	_ =	shalt  }
0x6f: {  	_ =	shalt  }
0x70: {  	_ =	shalt  }
0x71: {  	_ =	shalt  }
0x72: {  	_ =	shalt  }
0x73: {  	_ =	shalt  }
0x74: {  	_ =	shalt  }
0x75: {  	_ =	shalt  }
0x76: {  	_ =	shalt  }
0x77: {  	_ =	shalt  }
0x78: {  	_ =	shalt  }
0x79: {  	_ =	shalt  }
0x7a: {  	_ =	shalt  }
0x7b: {  	_ =	shalt  }
0x7c: {  	_ =	shalt  }
0x7d: {  	_ =	shalt  }
0x7e: {  	_ =	shalt  }
0x7f: {  	_ =	shalt  }
0x80: {  	_ =	shalt  }
0x81: {  	_ =	shalt  }
0x82: {  	_ =	shalt  }
0x83: {  	_ =	shalt  }
0x84: {  	_ =	shalt  }
0x85: {  	_ =	shalt  }
0x86: {  	_ =	shalt  }
0x87: {  	_ =	shalt  }
.Lfunc_end0:
.L_simem_size_0:
called_computation.1_lowered:
.L_overlay_start_0:
0x88: {  	s2 =	sld [smem:$0x3FD9]  }
0x89: {  	s3 =	sld [smem:$0x3FFE];
	_ =	sdelay $0x1  }
0x8a: {  	s1 =	srdreg.scid  }
0x8b: {  	s0 =	sand.u32 $0x1, s1  }
0x8c: {  	s17 =	sshll.u32 s0, $0xA;
	s2 =	sadd.s32 s3, s2  }
0x8d: {  	s2 =	sadd.s32 s2, s17  }
0x8e: {  	[smem:$0x3FC4] =	sst s2  }
0x8f: {  	_ = 	snop  }
0x90: {  	s2 =	sld [smem:$0x3FD0];
	(tm) =	ssettm $0x1  }
0x91: {  	s18 =	sld [smem:$0x3FFB];
	_ =	sdelay $0x3  }
0x92: {  	_ =	strace s18  }
0x93: {  	s3 =	sld [smem:$0x3FFC];
	_ =	sdelay $0x3  }
0x94: {  	_ =	strace s3  }
0x95: {  	s3 =	sld [smem:$0x3FFD];
	_ =	sdelay $0x3  }
0x96: {  	_ =	strace s3  }
0x97: {  	_ =	strace $0x8FFFFFFF  }
0x98: {  	s19 =	sld [smem:$0x3FDB];
	_ =	sdelay $0x1  }
0x99: {  	s4 =	simm.s32 $_scs_section_size  }
0x9a: {  	s5 =	simm.s32 $_size__tile_overlayer_lowered;
	s6 =	simm.s32 $_tile_overlayer_lowered  }
0x9b: {  	s22 =	simm.s32 $0x1BFF;
	s21 =	sshll.u32 s6, $0x1;
	s3 =	sadd.s32 s4, s19  }
0x9c: {  	s7 =	simm.s32 $0x0;
	s20 =	sshll.u32 s5, $0x1;
	s5 =	sadd.s32 s21, s3  }
0x9d: {  	[timem:s7], [sflag:s22] =	dma.local [hbm:s5], s20  }
0x9e: {  	_ =	swait.ge [sflag:s22], s20  }
0x9f: {  	s4 =	ssub.s32 $0x0, s20;
	[sflag:s22] =	ssyncset.done $0x0  }
0xa0: {  	[sflag:s22] =	ssyncadd.s32 s4;
	_ =	sdelay $0x1  }
0xa1: {  	s23 =	simm.s32 $0x1B8B  }
0xa2: {  	_ =	swait.ge [sflag:s23], $0x1  }
0xa3: {  	[sflag:s23] =	ssyncset.done $0x0  }
0xa4: {  	s25 =	simm.s32 $0x1B8E;
	s24 =	sld [smem:$0x3FFE];
	[sflag:s23] =	ssyncadd.s32 $0xFFFFFFFF  }
0xa5: {  	s26 =	simm.s32 $execute0_lowered;
	[smem:$0x3FD2] =	sst s25  }
0xa6: {  	s5 =	sshll.u32 s26, $0x1;
	_ =	strace $0x80000049;
	[dreg:$0x1] =	wrdreg $0xFFFFFFFF  }
0xa7: {  	s28 =	simm.s32 $_size_execute0_lowered;
	s3 =	sadd.s32 s3, s5;
	[dreg:$0x0] =	wrdreg $0x0  }
0xa8: {  	s5 =	sshll.u32 s28, $0x1;
	[dreg:$0x2] =	wrdreg s3  }
0xa9: {  	[dreg:$0x3] =	wrdreg s5  }
0xaa: {  	[dreg:$0x4] =	wrdreg $0xC0  }
0xab: {  	_ =	task [dreg:s7], $0x5FFFF  }
0xac: {  	[dreg:$0x1] =	wrdreg $0xFFFFFFFF  }
0xad: {  	[dreg:$0x0] =	wrdreg $0x60  }
0xae: {  	[dreg:$0x2] =	wrdreg s2  }
0xaf: {  	[dreg:$0x3] =	wrdreg s24  }
0xb0: {  	[dreg:$0x4] =	wrdreg $0x41000  }
0xb1: {  	[dreg:$0x5] =	wrdreg $0x9  }
0xb2: {  	_ =	task.clear_ibuf [dreg:s7], $0x6FFFF;
	_ =	strace $0x90000049  }
0xb3: {  	s29 =	simm.s32 $0x9;
	_ =	strace $0x8000004B  }
0xb4: {  	_ =	swait.ge [sflag:s29], $0x1  }
0xb5: {  	[sflag:s29] =	ssyncadd.s32 $0xFFFFFFFF  }
0xb6: {  	_ =	strace $0x9000004B  }
0xb7: {  	_ =	sfence  }
0xb8: {  	s30 =	sld [smem:$0x0];
	_ =	sdelay $0x2  }
0xb9: {  	s31 =	sshll.u32 s1, $0xD;
	s1 =	sshrl.u32 s1, $0x2  }
0xba: {  	s3 =	sand.u32 $0x4000, s31;
	s1 =	sadd.s32 s1, s30  }
0xbb: {  	s0 =	sor.u32 s3, s0;
	s1 =	sshll.u32 s1, $0x11  }
0xbc: {  	s0 =	sor.u32 s1, s0  }
0xbd: {  	s0 =	sadd.s32 $0x8F2B, s0  }
0xbe: {  	[sflag:s0] =	ssyncadd.remote.s32 $0x1  }
0xbf: {  	_ =	sfence.sel $0xFFFF  }
0xc0: {  	[dreg:$0x0] =	wrdreg $0xFFFFFFFF;
	(pc) =	sbr.abs _section_cstart, $3  }
0xc1: {  	[dreg:$0x1] =	wrdreg $0xFFFFFFFF  }
0xc2: {  	_ =	task.clear_ibuf [dreg:s7], $0x2FFFF;
	_ =	strace $0x9FFFFFFF  }
0xc3: {  	(tm) =	ssettm $0x7FFFFFFF  }
tec
execute0_lowered:
.L_overlay_start_1:
0x0: {  	(tag) =	ssettag $0x1  }
0x1: {  	s2 =	rddreg [dreg:$0x0]  }
0x2: {  	s1 =	srdreg.scid;
	s7 =	rddreg [dreg:$0x1]  }
0x3: {  	s0 =	stileid.u32;
	s3 =	rddreg [dreg:$0x2]  }
0x4: {  	s4 =	simm.s32 $0x0;
	s13 =	simm.s32 $0x80;
	s14 =	simm.s32 $0x100  }
0x5: {  	s15 =	simm.s32 $0x1;
	s16 =	simm.s32 $0x0;
	s5 =	smul.u32 $0x2800, s0  }
0x6: {  	s6 =	sand.u32 $0x1, s1;
	s1 =	rddreg [dreg:$0x3];
	s9 =	smul.u32 $0x50000, s0  }
0x7: {  	[smem:$0x7FF] =	sst s4;
	s31 =	sshll.u32 s0, $0x6;
	s8 =	smul.u32 $0x28000, s6  }
0x8: {  	_ =	strace $0x8000004A;
	s28 =	ssub.s32 $0x2, s6;
	p0 =	seq.s32 s6, $0x1  }
0x9: {  	s6 =	sor.u32 $0x1C02, s31;
	s11 =	sadd.s32 s5, s7;
	s29 =	sshrl.u32 s28, $0x1  }
0xa: {  	s30 =	sshrl.u32 s9, $0x2;
	s9 =	simm.s32 $0xB8600;
	s8 =	sadd.s32 s5, s8  }
0xb: {  	s12 =	sadd.s32 s30, s3;
	s5 =	sadd.s32 $0x68600, s11;
	s8 =	sshrl.u32 s8, $0x3  }
0xc: {  	s9 =	simm.s32 @!p0 $0x90600;
	s10 =	sadd.s32 s8, s7;
	s8 =	ssub.s32 s28, s29  }
0xd: {  	s7 =	smax.u32 s8, $0x1;
	s8 =	sadd.s32 s9, s11;
	s9 =	sadd.s32 $0x3A00, s10  }
0xe: {  	s10 =	sadd.s32 $0xE600, s10;
	s11 =	sshrl.u32 s12, $0x3;
	s12 =	simm.s32 $0x2  }
.LBB2_1:
0xf: {  	[spmem:s11], [sflag:s6] =	dma.local [hbm:s5], $0x2800  }
0x10: {  	_ =	swait.ge [sflag:s12], $0x2800  }
0x11: {  	[sflag:s12] =	ssyncset.done $0x0  }
0x12: {  	[sflag:s12] =	ssyncadd.s32 $0xFFFFD800  }
0x13: {  	s17 =	sadd.s32 $0x0, s10;
	[bflag:$0x0] =	sbarrier.arrive $0xFFFF  }
0x14: {  	[tilespmem:s4], [sflag:$0x2] =	stream.linear.gather [hbm4b:s17+s4], $0x80, $0x38;
	[tilespmem:$0x18100] =	vst v63  }
0x15: {  	_ =	swait.ge [sflag:s12], $0x80  }
0x16: {  	[sflag:s12] =	ssyncset.done $0x0  }
0x17: {  	s31 =	sadd.s32 $0x0, s9;
	[sflag:s12] =	ssyncadd.s32 $0xFFFFFF80  }
0x18: {  	[tilespmem:s13], [sflag:$0x2] =	stream.linear.gather [hbm4b:s31+s4], $0x80, $0x38;
	[tilespmem:$0x18100] =	vst v63  }
0x19: {  	_ =	swait.ge [sflag:s12], $0x80  }
0x1a: {  	[sflag:s12] =	ssyncset.done $0x0  }
0x1b: {  	[sflag:s12] =	ssyncadd.s32 $0xFFFFFF80  }
0x1c: {  	[tilespmem:s14], [sflag:$0x1] =	stream.indirect.gather [hbm4b:s2+s13], $0x80, s4, s13, $0xb8;
	[tilespmem:$0x18100] =	vst v63  }
0x1d: {  	_ =	swait.ge [sflag:s15], $0x4000  }
0x1e: {  	[sflag:s15] =	ssyncset.done $0x0  }
0x1f: {  	[sflag:s15] =	ssyncadd.s32 $0xFFFFC000  }
0x20: {  	[spmem:s3] =	stream.indirect.scatter.add.f32 [tilespmem:s14], [sflag:$0x2], $0x80, s13, s13, $0xb8;
	[tilespmem:$0x18100] =	vst v63  }
0x21: {  	_ =	swait.ge [sflag:s12], $0x4000  }
0x22: {  	s18 =	simm.s32 $0x20;
	s17 =	simm.s32 $0x10;
	[sflag:s12] =	ssyncset.done $0x0  }
.LBB2_2:
0x23: {  	s19 =	sadd.s32 s17, s10  }
0x24: {  	[sflag:s12] =	ssyncadd.s32 $0xFFFFC000;
	s20 =	smov.u32 s18;
	s21 =	sadd.s32 $0x10, s18  }
0x25: {  	[tilespmem:s4], [sflag:$0x2] =	stream.linear.gather [hbm4b:s19+s4], $0x80, $0x38;
	[tilespmem:$0x18100] =	vst v63  }
0x26: {  	p0 =	sne.s32 s18, $0x4F0;
	_ =	swait.ge [sflag:s12], $0x80  }
0x27: {  	[sflag:s12] =	ssyncset.done $0x0  }
0x28: {  	s18 =	sadd.s32 s17, s9;
	s17 =	smov.u32 s20;
	[sflag:s12] =	ssyncadd.s32 $0xFFFFFF80  }
0x29: {  	[tilespmem:s13], [sflag:$0x2] =	stream.linear.gather [hbm4b:s18+s4], $0x80, $0x38;
	[tilespmem:$0x18100] =	vst v63  }
0x2a: {  	_ =	swait.ge [sflag:s12], $0x80  }
0x2b: {  	[sflag:s12] =	ssyncset.done $0x0  }
0x2c: {  	[sflag:s12] =	ssyncadd.s32 $0xFFFFFF80  }
0x2d: {  	[tilespmem:s14], [sflag:$0x1] =	stream.indirect.gather [hbm4b:s2+s13], $0x80, s4, s13, $0xb8;
	[tilespmem:$0x18100] =	vst v63  }
0x2e: {  	_ =	swait.ge [sflag:s15], $0x4000  }
.Ltmp0:
0x2f: {  	[sflag:s15] =	ssyncset.done $0x0;
	(pc) =	sbr.rel @p0 .LBB2_2-.Ltmp0, $4  }
0x30: {  	[sflag:s15] =	ssyncadd.s32 $0xFFFFC000  }
0x31: {  	[spmem:s3] =	stream.indirect.scatter.add.f32 [tilespmem:s14], [sflag:$0x2], $0x80, s13, s13, $0xb8;
	[tilespmem:$0x18100] =	vst v63  }
0x32: {  	_ =	swait.ge [sflag:s12], $0x4000  }
0x33: {  	s18 =	smov.u32 s21;
	[sflag:s12] =	ssyncset.done $0x0  }
0x34: {  	s18 =	sadd.s32 s17, s10;
	[sflag:s12] =	ssyncadd.s32 $0xFFFFC000  }
0x35: {  	[tilespmem:s4], [sflag:$0x2] =	stream.linear.gather [hbm4b:s18+s4], $0x80, $0x38;
	[tilespmem:$0x18100] =	vst v63  }
0x36: {  	_ =	swait.ge [sflag:s12], $0x80  }
0x37: {  	[sflag:s12] =	ssyncset.done $0x0  }
0x38: {  	s31 =	sadd.s32 s17, s9;
	[sflag:s12] =	ssyncadd.s32 $0xFFFFFF80  }
0x39: {  	[tilespmem:s13], [sflag:$0x2] =	stream.linear.gather [hbm4b:s31+s4], $0x80, $0x38;
	[tilespmem:$0x18100] =	vst v63  }
0x3a: {  	_ =	swait.ge [sflag:s12], $0x80  }
0x3b: {  	[sflag:s12] =	ssyncset.done $0x0  }
0x3c: {  	[sflag:s12] =	ssyncadd.s32 $0xFFFFFF80  }
0x3d: {  	[tilespmem:s14], [sflag:$0x1] =	stream.indirect.gather [hbm4b:s2+s13], $0x80, s4, s13, $0xb8;
	[tilespmem:$0x18100] =	vst v63  }
0x3e: {  	_ =	swait.ge [sflag:s15], $0x4000  }
0x3f: {  	[sflag:s15] =	ssyncset.done $0x0  }
0x40: {  	[sflag:s15] =	ssyncadd.s32 $0xFFFFC000  }
0x41: {  	[spmem:s3] =	stream.indirect.scatter.add.f32 [tilespmem:s14], [sflag:$0x2], $0x80, s13, s13, $0xb8;
	[tilespmem:$0x18100] =	vst v63  }
0x42: {  	_ =	swait.ge [sflag:s12], $0x4000  }
0x43: {  	s16 =	sadd.s32 $0x1, s16;
	[sflag:s12] =	ssyncset.done $0x0  }
0x44: {  	p0 =	sne.s32 s16, s7;
	[sflag:s12] =	ssyncadd.s32 $0xFFFFC000  }
.Ltmp1:
0x45: {  	[bflag:$0x0] =	sbarrier.arrive $0xFFFF;
	(pc) =	sbr.rel @p0 .LBB2_1-.Ltmp1, $4  }
0x46: {  	[hbm:s8], [sflag:s6] =	dma.local [spmem:s11], $0x2800  }
0x47: {  	_ =	swait.ge [sflag:s12], $0x2800  }
0x48: {  	[sflag:s12] =	ssyncset.done $0x0  }
0x49: {  	[sflag:s12] =	ssyncadd.s32 $0xFFFFD800  }
0x4a: {  	_ =	sfence.sel $0x180000  }
0x4b: {  	[bflag:$0x0] =	sbarrier.arrive $0xFFFF  }
0x4c: {  	p0 =	sne.s32 s0, $0x0;
	_ =	strace $0x9000004A  }
0x4d: {  	s0 =	sadd.s32 @!p0 $0x100000, s1;
	[bflag:$0x2] =	sbarrier.arrive $0xFFFF  }
0x4e: {  	[sflag:s0] =	ssyncadd.tile.s32 @!p0 $0x1;
	_ =	shalt  }
.Lfunc_end2:
_tile_overlayer_lowered:
.L_overlay_start_2:
0x4f: {  	(tag) =	ssettag $0x2  }
0x50: {  	s0 =	rddreg [dreg:$0x0];
	s2 =	stileid.u32  }
0x51: {  	s1 =	rddreg [dreg:$0x1];
	p0 =	sne.s32 s2, $0x0  }
0x52: {  	s3 =	rddreg [dreg:$0x2];
	[bflag:$0x3] =	sbarrier.arrive $0xFFFF;
	s2 =	simm.s32 @!p0 $0x1C02  }
0x53: {  	[timem:s3], [sflag:s2] =	dma.local @!p0 [hbm:s0], s1  }
0x54: {  	s0 =	simm.s32 @!p0 $0x2  }
0x55: {  	_ =	swait.ge @!p0 [sflag:s0], s1  }
0x56: {  	s1 =	ssub.s32 @!p0 $0x0, s1;
	[sflag:s0] =	ssyncset.done @!p0 $0x0  }
0x57: {  	[sflag:s0] =	ssyncadd.s32 @!p0 s1  }
0x58: {  	[bflag:$0x3] =	sbarrier.arrive $0xFFFF  }
0x59: {  	_ =	shalt  }

// kernel: kernel.14.cloned.1.call-start
scs
__scs_entry_jumppad:
0x0: {  	(pc) =	sbr.rel $0x88, $3  }
0x1: {  	(tag) =	ssettag $0x0;
	lr =	simm.s32 $0x1  }
0x2: {  	[smem:$0x3F9D] =	sst lr;
	_ =	strace $0xD0000000  }
0x3: {  	_ = 	snop  }
0x4: {  	_ = 	snop  }
0x5: {  	_ = 	snop  }
0x6: {  	_ = 	snop  }
0x7: {  	_ = 	snop  }
__scs_overlays_trampoline_lowered:
0x8: {  	[smem:$0x3FAC] =	sst s0  }
0x9: {  	[smem:$0x3FAD] =	sst s1  }
0xa: {  	[smem:$0x3FAE] =	sst s2  }
0xb: {  	[smem:$0x3FAF] =	sst s3  }
0xc: {  	[smem:$0x3FB0] =	sst s4  }
0xd: {  	[smem:$0x3FB1] =	sst s5  }
0xe: {  	[smem:$0x3FB2] =	sst s6  }
0xf: {  	[smem:$0x3FB3] =	sst s7  }
0x10: {  	[smem:$0x3FB4] =	sst s8  }
0x11: {  	[smem:$0x3FB5] =	sst s9;
	s0 =	simm.s32 @!p0 $0x0  }
0x12: {  	s1 =	sld [smem:$0x3F9B];
	s0 =	simm.s32 @p0 $0x1  }
0x13: {  	[smem:$0x3FB6] =	sst s0;
	s0 =	simm.s32 @!p1 $0x0  }
0x14: {  	s2 =	sld [smem:$0x3F9A];
	s0 =	simm.s32 @p1 $0x1  }
0x15: {  	[smem:$0x3FB7] =	sst s0;
	s0 =	simm.s32 @!p2 $0x0  }
0x16: {  	s3 =	sld [smem:$0x3FDB];
	s0 =	simm.s32 @p2 $0x1  }
0x17: {  	s4 =	simm.s32 $0x1BF5;
	[smem:$0x3FB9] =	sst s0  }
0x18: {  	s0 =	sld [smem:$0x3F9C];
	_ =	swait.ge [sflag:s4], $0x0  }
0x19: {  	s7 =	sld [smem:$0x3F9D]  }
0x1a: {  	s8 =	sadd.s32 $0xFFFFE003, lr  }
0x1b: {  	s9 =	sadd.s32 $0xFFFFFEF7, lr;
	s5 =	simm.s32 $0xFFFFFFFF;
	p2 =	slt.u32 s8, $0xFFFFF086  }
0x1c: {  	p1 =	slt.u32 s9, $0xF7A;
	s5 =	simm.s32 @!p2 $0x0  }
0x1d: {  	s5 =	simm.s32 @p1 $0x1;
	p0 =	seq.s32 s7, s2  }
0x1e: {  	s7 =	smul.u32 @!p0 $0xF7A, s2;
	p2 =	seq.s32 @!p0 s5, $0x0  }
0x1f: {  	s9 =	smul.u32 $0xF7A, s1;
	s8 =	simm.s32 @!p0 $0x1BF5;
	p2 =	por !p2, p0  }
0x20: {  	[sflag:s8] =	ssyncset.s32 @!p0 $0xFFFFF086;
	s6 =	sadd.s32 @!p0 s3, s7;
	s7 =	simm.s32 @!p0 $0x108  }
0x21: {  	s3 =	sadd.s32 s3, s9;
	s6 =	sadd.s32 @!p0 $0x88, s6;
	s7 =	simm.s32 @p2 $0x1082  }
0x22: {  	[simem:s7], [sflag:s8] =	dma.local @!p0 [hbm:s6], $0xF7A  }
0x23: {  	s9 =	sor.u32 $0xD0000000, s2;
	s6 =	simm.s32 $0x108;
	_ =	swait.ge @!p0 [sflag:s8], $0x0  }
0x24: {  	s3 =	sadd.s32 $0x88, s3;
	s6 =	simm.s32 @!p1 $0x1082;
	[sflag:s4] =	ssyncset.s32 $0xFFFFF086  }
0x25: {  	[simem:s6], [sflag:s4] =	dma.local [hbm:s3], $0xF7A  }
0x26: {  	[smem:$0x3F9D] =	sst s1;
	(tag) =	ssettag s2;
	_ =	strace s9  }
0x27: {  	s1 =	sld [smem:$0x3FAD]  }
0x28: {  	s2 =	sld [smem:$0x3FAE]  }
0x29: {  	s4 =	sld [smem:$0x3FB0]  }
0x2a: {  	p0 =	seq.s32 s5, $0x0;
	s5 =	sld [smem:$0x3FB1]  }
0x2b: {  	s6 =	sld [smem:$0x3FB2]  }
0x2c: {  	s7 =	sld [smem:$0x3FB3]  }
0x2d: {  	s3 =	simm.s32 $0x108;
	s8 =	sld [smem:$0x3FB4]  }
0x2e: {  	s3 =	simm.s32 @!p0 $0x1082;
	s9 =	sld [smem:$0x3FB5]  }
0x2f: {  	lr =	sadd.s32 s0, s3;
	s0 =	sld [smem:$0x3FAC]  }
0x30: {  	s3 =	sld [smem:$0x3FAF]  }
0x31: {  	[smem:$0x3FB8] =	sst s10  }
0x32: {  	s10 =	sld [smem:$0x3FB6];
	_ =	sdelay $0x3  }
0x33: {  	p0 =	seq.s32 s10, $0x1;
	s10 =	sld [smem:$0x3FB8];
	_ =	sdelay $0x3  }
0x34: {  	[smem:$0x3FB8] =	sst s10  }
0x35: {  	s10 =	sld [smem:$0x3FB7];
	_ =	sdelay $0x3  }
0x36: {  	p1 =	seq.s32 s10, $0x1;
	s10 =	sld [smem:$0x3FB8];
	_ =	sdelay $0x3  }
0x37: {  	[smem:$0x3FB8] =	sst s10  }
0x38: {  	s10 =	sld [smem:$0x3FB9]  }
0x39: {  	_ = 	snop;
	(pc) =	sbr.ind lr, $3  }
0x3a: {  	_ = 	snop  }
0x3b: {  	_ = 	snop  }
0x3c: {  	p2 =	seq.s32 s10, $0x1;
	s10 =	sld [smem:$0x3FB8]  }
0x3d: {  	_ =	shalt  }
0x3e: {  	_ =	shalt  }
0x3f: {  	_ =	shalt  }
0x40: {  	_ =	shalt  }
0x41: {  	_ =	shalt  }
0x42: {  	_ =	shalt  }
0x43: {  	_ =	shalt  }
0x44: {  	_ =	shalt  }
0x45: {  	_ =	shalt  }
0x46: {  	_ =	shalt  }
0x47: {  	_ =	shalt  }
0x48: {  	_ =	shalt  }
0x49: {  	_ =	shalt  }
0x4a: {  	_ =	shalt  }
0x4b: {  	_ =	shalt  }
0x4c: {  	_ =	shalt  }
0x4d: {  	_ =	shalt  }
0x4e: {  	_ =	shalt  }
0x4f: {  	_ =	shalt  }
0x50: {  	_ =	shalt  }
0x51: {  	_ =	shalt  }
0x52: {  	_ =	shalt  }
0x53: {  	_ =	shalt  }
0x54: {  	_ =	shalt  }
0x55: {  	_ =	shalt  }
0x56: {  	_ =	shalt  }
0x57: {  	_ =	shalt  }
0x58: {  	_ =	shalt  }
0x59: {  	_ =	shalt  }
0x5a: {  	_ =	shalt  }
0x5b: {  	_ =	shalt  }
0x5c: {  	_ =	shalt  }
0x5d: {  	_ =	shalt  }
0x5e: {  	_ =	shalt  }
0x5f: {  	_ =	shalt  }
0x60: {  	_ =	shalt  }
0x61: {  	_ =	shalt  }
0x62: {  	_ =	shalt  }
0x63: {  	_ =	shalt  }
0x64: {  	_ =	shalt  }
0x65: {  	_ =	shalt  }
0x66: {  	_ =	shalt  }
0x67: {  	_ =	shalt  }
0x68: {  	_ =	shalt  }
0x69: {  	_ =	shalt  }
0x6a: {  	_ =	shalt  }
0x6b: {  	_ =	shalt  }
0x6c: {  	_ =	shalt  }
0x6d: {  	_ =	shalt  }
0x6e: {  	_ =	shalt  }
0x6f: {  	_ =	shalt  }
0x70: {  	_ =	shalt  }
0x71: {  	_ =	shalt  }
0x72: {  	_ =	shalt  }
0x73: {  	_ =	shalt  }
0x74: {  	_ =	shalt  }
0x75: {  	_ =	shalt  }
0x76: {  	_ =	shalt  }
0x77: {  	_ =	shalt  }
0x78: {  	_ =	shalt  }
0x79: {  	_ =	shalt  }
0x7a: {  	_ =	shalt  }
0x7b: {  	_ =	shalt  }
0x7c: {  	_ =	shalt  }
0x7d: {  	_ =	shalt  }
0x7e: {  	_ =	shalt  }
0x7f: {  	_ =	shalt  }
0x80: {  	_ =	shalt  }
0x81: {  	_ =	shalt  }
0x82: {  	_ =	shalt  }
0x83: {  	_ =	shalt  }
0x84: {  	_ =	shalt  }
0x85: {  	_ =	shalt  }
0x86: {  	_ =	shalt  }
0x87: {  	_ =	shalt  }
.Lfunc_end0:
.L_simem_size_0:
called_computation.2_lowered:
.L_overlay_start_0:
0x88: {  	s2 =	sld [smem:$0x3FD9]  }
0x89: {  	s3 =	sld [smem:$0x3FFE];
	_ =	sdelay $0x1  }
0x8a: {  	s1 =	srdreg.scid  }
0x8b: {  	s0 =	sand.u32 $0x1, s1  }
0x8c: {  	s17 =	sshll.u32 s0, $0xA;
	s2 =	sadd.s32 s3, s2  }
0x8d: {  	s2 =	sadd.s32 s2, s17  }
0x8e: {  	[smem:$0x3FC4] =	sst s2  }
0x8f: {  	_ = 	snop  }
0x90: {  	s2 =	sld [smem:$0x3FD0];
	(tm) =	ssettm $0x1  }
0x91: {  	s18 =	sld [smem:$0x3FFB];
	_ =	sdelay $0x3  }
0x92: {  	_ =	strace s18  }
0x93: {  	s3 =	sld [smem:$0x3FFC];
	_ =	sdelay $0x3  }
0x94: {  	_ =	strace s3  }
0x95: {  	s3 =	sld [smem:$0x3FFD];
	_ =	sdelay $0x3  }
0x96: {  	_ =	strace s3  }
0x97: {  	_ =	strace $0x8FFFFFFF  }
0x98: {  	s19 =	sld [smem:$0x3FDB];
	_ =	sdelay $0x1  }
0x99: {  	s4 =	simm.s32 $_scs_section_size  }
0x9a: {  	s5 =	simm.s32 $_size__tile_overlayer_lowered;
	s6 =	simm.s32 $_tile_overlayer_lowered  }
0x9b: {  	s22 =	simm.s32 $0x1BFF;
	s21 =	sshll.u32 s6, $0x1;
	s3 =	sadd.s32 s4, s19  }
0x9c: {  	s7 =	simm.s32 $0x0;
	s20 =	sshll.u32 s5, $0x1;
	s5 =	sadd.s32 s21, s3  }
0x9d: {  	[timem:s7], [sflag:s22] =	dma.local [hbm:s5], s20  }
0x9e: {  	_ =	swait.ge [sflag:s22], s20  }
0x9f: {  	s4 =	ssub.s32 $0x0, s20;
	[sflag:s22] =	ssyncset.done $0x0  }
0xa0: {  	[sflag:s22] =	ssyncadd.s32 s4;
	_ =	sdelay $0x1  }
0xa1: {  	s23 =	simm.s32 $0x1B8B  }
0xa2: {  	_ =	swait.ge [sflag:s23], $0x1  }
0xa3: {  	[sflag:s23] =	ssyncset.done $0x0  }
0xa4: {  	s25 =	simm.s32 $0x1B8E;
	s24 =	sld [smem:$0x3FFE];
	[sflag:s23] =	ssyncadd.s32 $0xFFFFFFFF  }
0xa5: {  	s26 =	simm.s32 $execute0_lowered;
	[smem:$0x3FD2] =	sst s25  }
0xa6: {  	s5 =	sshll.u32 s26, $0x1;
	_ =	strace $0x8000004C;
	[dreg:$0x1] =	wrdreg $0xFFFFFFFF  }
0xa7: {  	s28 =	simm.s32 $_size_execute0_lowered;
	s3 =	sadd.s32 s3, s5;
	[dreg:$0x0] =	wrdreg $0x0  }
0xa8: {  	s5 =	sshll.u32 s28, $0x1;
	[dreg:$0x2] =	wrdreg s3  }
0xa9: {  	[dreg:$0x3] =	wrdreg s5  }
0xaa: {  	[dreg:$0x4] =	wrdreg $0xC0  }
0xab: {  	_ =	task [dreg:s7], $0x5FFFF  }
0xac: {  	[dreg:$0x1] =	wrdreg $0xFFFFFFFF  }
0xad: {  	[dreg:$0x0] =	wrdreg $0x60  }
0xae: {  	[dreg:$0x2] =	wrdreg s2  }
0xaf: {  	[dreg:$0x3] =	wrdreg s24  }
0xb0: {  	[dreg:$0x4] =	wrdreg $0x41000  }
0xb1: {  	[dreg:$0x5] =	wrdreg $0x9  }
0xb2: {  	_ =	task.clear_ibuf [dreg:s7], $0x6FFFF;
	_ =	strace $0x9000004C  }
0xb3: {  	s29 =	simm.s32 $0x9;
	_ =	strace $0x8000004E  }
0xb4: {  	_ =	swait.ge [sflag:s29], $0x1  }
0xb5: {  	[sflag:s29] =	ssyncadd.s32 $0xFFFFFFFF  }
0xb6: {  	_ =	strace $0x9000004E  }
0xb7: {  	_ =	sfence  }
0xb8: {  	s30 =	sld [smem:$0x0];
	_ =	sdelay $0x2  }
0xb9: {  	s31 =	sshll.u32 s1, $0xD;
	s1 =	sshrl.u32 s1, $0x2  }
0xba: {  	s3 =	sand.u32 $0x4000, s31;
	s1 =	sadd.s32 s1, s30  }
0xbb: {  	s0 =	sor.u32 s3, s0;
	s1 =	sshll.u32 s1, $0x11  }
0xbc: {  	s0 =	sor.u32 s1, s0  }
0xbd: {  	s0 =	sadd.s32 $0x8F2B, s0  }
0xbe: {  	[sflag:s0] =	ssyncadd.remote.s32 $0x1  }
0xbf: {  	_ =	sfence.sel $0xFFFF  }
0xc0: {  	[dreg:$0x0] =	wrdreg $0xFFFFFFFF;
	(pc) =	sbr.abs _section_cstart, $3  }
0xc1: {  	[dreg:$0x1] =	wrdreg $0xFFFFFFFF  }
0xc2: {  	_ =	task.clear_ibuf [dreg:s7], $0x2FFFF;
	_ =	strace $0x9FFFFFFF  }
0xc3: {  	(tm) =	ssettm $0x7FFFFFFF  }
tec
execute0_lowered:
.L_overlay_start_1:
0x0: {  	(tag) =	ssettag $0x1  }
0x1: {  	s2 =	rddreg [dreg:$0x0]  }
0x2: {  	s1 =	srdreg.scid;
	s7 =	rddreg [dreg:$0x1]  }
0x3: {  	s0 =	stileid.u32;
	s3 =	rddreg [dreg:$0x2]  }
0x4: {  	s4 =	simm.s32 $0x0;
	s13 =	simm.s32 $0x80;
	s14 =	simm.s32 $0x100  }
0x5: {  	s15 =	simm.s32 $0x1;
	s16 =	simm.s32 $0x0;
	s5 =	smul.u32 $0x2800, s0  }
0x6: {  	s6 =	sand.u32 $0x1, s1;
	s1 =	rddreg [dreg:$0x3];
	s9 =	smul.u32 $0x50000, s0  }
0x7: {  	[smem:$0x7FF] =	sst s4;
	s31 =	sshll.u32 s0, $0x6;
	s8 =	smul.u32 $0x28000, s6  }
0x8: {  	_ =	strace $0x8000004D;
	s28 =	ssub.s32 $0x2, s6;
	p0 =	seq.s32 s6, $0x1  }
0x9: {  	s6 =	sor.u32 $0x1C02, s31;
	s11 =	sadd.s32 s5, s7;
	s29 =	sshrl.u32 s28, $0x1  }
0xa: {  	s30 =	sshrl.u32 s9, $0x2;
	s9 =	simm.s32 $0xB8600;
	s8 =	sadd.s32 s5, s8  }
0xb: {  	s12 =	sadd.s32 s30, s3;
	s5 =	sadd.s32 $0x68600, s11;
	s8 =	sshrl.u32 s8, $0x3  }
0xc: {  	s9 =	simm.s32 @!p0 $0x90600;
	s10 =	sadd.s32 s8, s7;
	s8 =	ssub.s32 s28, s29  }
0xd: {  	s7 =	smax.u32 s8, $0x1;
	s8 =	sadd.s32 s9, s11;
	s9 =	sadd.s32 $0x3A00, s10  }
0xe: {  	s10 =	sadd.s32 $0xE600, s10;
	s11 =	sshrl.u32 s12, $0x3;
	s12 =	simm.s32 $0x2  }
.LBB2_1:
0xf: {  	[spmem:s11], [sflag:s6] =	dma.local [hbm:s5], $0x2800  }
0x10: {  	_ =	swait.ge [sflag:s12], $0x2800  }
0x11: {  	[sflag:s12] =	ssyncset.done $0x0  }
0x12: {  	[sflag:s12] =	ssyncadd.s32 $0xFFFFD800  }
0x13: {  	s17 =	sadd.s32 $0x0, s10;
	[bflag:$0x0] =	sbarrier.arrive $0xFFFF  }
0x14: {  	[tilespmem:s4], [sflag:$0x2] =	stream.linear.gather [hbm4b:s17+s4], $0x80, $0x38;
	[tilespmem:$0x18100] =	vst v63  }
0x15: {  	_ =	swait.ge [sflag:s12], $0x80  }
0x16: {  	[sflag:s12] =	ssyncset.done $0x0  }
0x17: {  	s31 =	sadd.s32 $0x0, s9;
	[sflag:s12] =	ssyncadd.s32 $0xFFFFFF80  }
0x18: {  	[tilespmem:s13], [sflag:$0x2] =	stream.linear.gather [hbm4b:s31+s4], $0x80, $0x38;
	[tilespmem:$0x18100] =	vst v63  }
0x19: {  	_ =	swait.ge [sflag:s12], $0x80  }
0x1a: {  	[sflag:s12] =	ssyncset.done $0x0  }
0x1b: {  	[sflag:s12] =	ssyncadd.s32 $0xFFFFFF80  }
0x1c: {  	[tilespmem:s14], [sflag:$0x1] =	stream.indirect.gather [hbm4b:s2+s13], $0x80, s4, s13, $0xb8;
	[tilespmem:$0x18100] =	vst v63  }
0x1d: {  	_ =	swait.ge [sflag:s15], $0x4000  }
0x1e: {  	[sflag:s15] =	ssyncset.done $0x0  }
0x1f: {  	[sflag:s15] =	ssyncadd.s32 $0xFFFFC000  }
0x20: {  	[spmem:s3] =	stream.indirect.scatter.add.f32 [tilespmem:s14], [sflag:$0x2], $0x80, s13, s13, $0xb8;
	[tilespmem:$0x18100] =	vst v63  }
0x21: {  	_ =	swait.ge [sflag:s12], $0x4000  }
0x22: {  	s18 =	simm.s32 $0x20;
	s17 =	simm.s32 $0x10;
	[sflag:s12] =	ssyncset.done $0x0  }
.LBB2_2:
0x23: {  	s19 =	sadd.s32 s17, s10  }
0x24: {  	[sflag:s12] =	ssyncadd.s32 $0xFFFFC000;
	s20 =	smov.u32 s18;
	s21 =	sadd.s32 $0x10, s18  }
0x25: {  	[tilespmem:s4], [sflag:$0x2] =	stream.linear.gather [hbm4b:s19+s4], $0x80, $0x38;
	[tilespmem:$0x18100] =	vst v63  }
0x26: {  	p0 =	sne.s32 s18, $0x4F0;
	_ =	swait.ge [sflag:s12], $0x80  }
0x27: {  	[sflag:s12] =	ssyncset.done $0x0  }
0x28: {  	s18 =	sadd.s32 s17, s9;
	s17 =	smov.u32 s20;
	[sflag:s12] =	ssyncadd.s32 $0xFFFFFF80  }
0x29: {  	[tilespmem:s13], [sflag:$0x2] =	stream.linear.gather [hbm4b:s18+s4], $0x80, $0x38;
	[tilespmem:$0x18100] =	vst v63  }
0x2a: {  	_ =	swait.ge [sflag:s12], $0x80  }
0x2b: {  	[sflag:s12] =	ssyncset.done $0x0  }
0x2c: {  	[sflag:s12] =	ssyncadd.s32 $0xFFFFFF80  }
0x2d: {  	[tilespmem:s14], [sflag:$0x1] =	stream.indirect.gather [hbm4b:s2+s13], $0x80, s4, s13, $0xb8;
	[tilespmem:$0x18100] =	vst v63  }
0x2e: {  	_ =	swait.ge [sflag:s15], $0x4000  }
.Ltmp0:
0x2f: {  	[sflag:s15] =	ssyncset.done $0x0;
	(pc) =	sbr.rel @p0 .LBB2_2-.Ltmp0, $4  }
0x30: {  	[sflag:s15] =	ssyncadd.s32 $0xFFFFC000  }
0x31: {  	[spmem:s3] =	stream.indirect.scatter.add.f32 [tilespmem:s14], [sflag:$0x2], $0x80, s13, s13, $0xb8;
	[tilespmem:$0x18100] =	vst v63  }
0x32: {  	_ =	swait.ge [sflag:s12], $0x4000  }
0x33: {  	s18 =	smov.u32 s21;
	[sflag:s12] =	ssyncset.done $0x0  }
0x34: {  	s18 =	sadd.s32 s17, s10;
	[sflag:s12] =	ssyncadd.s32 $0xFFFFC000  }
0x35: {  	[tilespmem:s4], [sflag:$0x2] =	stream.linear.gather [hbm4b:s18+s4], $0x80, $0x38;
	[tilespmem:$0x18100] =	vst v63  }
0x36: {  	_ =	swait.ge [sflag:s12], $0x80  }
0x37: {  	[sflag:s12] =	ssyncset.done $0x0  }
0x38: {  	s31 =	sadd.s32 s17, s9;
	[sflag:s12] =	ssyncadd.s32 $0xFFFFFF80  }
0x39: {  	[tilespmem:s13], [sflag:$0x2] =	stream.linear.gather [hbm4b:s31+s4], $0x80, $0x38;
	[tilespmem:$0x18100] =	vst v63  }
0x3a: {  	_ =	swait.ge [sflag:s12], $0x80  }
0x3b: {  	[sflag:s12] =	ssyncset.done $0x0  }
0x3c: {  	[sflag:s12] =	ssyncadd.s32 $0xFFFFFF80  }
0x3d: {  	[tilespmem:s14], [sflag:$0x1] =	stream.indirect.gather [hbm4b:s2+s13], $0x80, s4, s13, $0xb8;
	[tilespmem:$0x18100] =	vst v63  }
0x3e: {  	_ =	swait.ge [sflag:s15], $0x4000  }
0x3f: {  	[sflag:s15] =	ssyncset.done $0x0  }
0x40: {  	[sflag:s15] =	ssyncadd.s32 $0xFFFFC000  }
0x41: {  	[spmem:s3] =	stream.indirect.scatter.add.f32 [tilespmem:s14], [sflag:$0x2], $0x80, s13, s13, $0xb8;
	[tilespmem:$0x18100] =	vst v63  }
0x42: {  	_ =	swait.ge [sflag:s12], $0x4000  }
0x43: {  	s16 =	sadd.s32 $0x1, s16;
	[sflag:s12] =	ssyncset.done $0x0  }
0x44: {  	p0 =	sne.s32 s16, s7;
	[sflag:s12] =	ssyncadd.s32 $0xFFFFC000  }
.Ltmp1:
0x45: {  	[bflag:$0x0] =	sbarrier.arrive $0xFFFF;
	(pc) =	sbr.rel @p0 .LBB2_1-.Ltmp1, $4  }
0x46: {  	[hbm:s8], [sflag:s6] =	dma.local [spmem:s11], $0x2800  }
0x47: {  	_ =	swait.ge [sflag:s12], $0x2800  }
0x48: {  	[sflag:s12] =	ssyncset.done $0x0  }
0x49: {  	[sflag:s12] =	ssyncadd.s32 $0xFFFFD800  }
0x4a: {  	_ =	sfence.sel $0x180000  }
0x4b: {  	[bflag:$0x0] =	sbarrier.arrive $0xFFFF  }
0x4c: {  	p0 =	sne.s32 s0, $0x0;
	_ =	strace $0x9000004D  }
0x4d: {  	s0 =	sadd.s32 @!p0 $0x100000, s1;
	[bflag:$0x2] =	sbarrier.arrive $0xFFFF  }
0x4e: {  	[sflag:s0] =	ssyncadd.tile.s32 @!p0 $0x1;
	_ =	shalt  }
.Lfunc_end2:
_tile_overlayer_lowered:
.L_overlay_start_2:
0x4f: {  	(tag) =	ssettag $0x2  }
0x50: {  	s0 =	rddreg [dreg:$0x0];
	s2 =	stileid.u32  }
0x51: {  	s1 =	rddreg [dreg:$0x1];
	p0 =	sne.s32 s2, $0x0  }
0x52: {  	s3 =	rddreg [dreg:$0x2];
	[bflag:$0x3] =	sbarrier.arrive $0xFFFF;
	s2 =	simm.s32 @!p0 $0x1C02  }
0x53: {  	[timem:s3], [sflag:s2] =	dma.local @!p0 [hbm:s0], s1  }
0x54: {  	s0 =	simm.s32 @!p0 $0x2  }
0x55: {  	_ =	swait.ge @!p0 [sflag:s0], s1  }
0x56: {  	s1 =	ssub.s32 @!p0 $0x0, s1;
	[sflag:s0] =	ssyncset.done @!p0 $0x0  }
0x57: {  	[sflag:s0] =	ssyncadd.s32 @!p0 s1  }
0x58: {  	[bflag:$0x3] =	sbarrier.arrive $0xFFFF  }
0x59: {  	_ =	shalt  }

// kernel: kernel.8.cloned.1.call-start
scs
__scs_entry_jumppad:
0x0: {  	(pc) =	sbr.rel $0x88, $3  }
0x1: {  	(tag) =	ssettag $0x0;
	lr =	simm.s32 $0x1  }
0x2: {  	[smem:$0x3F9D] =	sst lr;
	_ =	strace $0xD0000000  }
0x3: {  	_ = 	snop  }
0x4: {  	_ = 	snop  }
0x5: {  	_ = 	snop  }
0x6: {  	_ = 	snop  }
0x7: {  	_ = 	snop  }
__scs_overlays_trampoline_lowered:
0x8: {  	[smem:$0x3FAC] =	sst s0  }
0x9: {  	[smem:$0x3FAD] =	sst s1  }
0xa: {  	[smem:$0x3FAE] =	sst s2  }
0xb: {  	[smem:$0x3FAF] =	sst s3  }
0xc: {  	[smem:$0x3FB0] =	sst s4  }
0xd: {  	[smem:$0x3FB1] =	sst s5  }
0xe: {  	[smem:$0x3FB2] =	sst s6  }
0xf: {  	[smem:$0x3FB3] =	sst s7  }
0x10: {  	[smem:$0x3FB4] =	sst s8  }
0x11: {  	[smem:$0x3FB5] =	sst s9;
	s0 =	simm.s32 @!p0 $0x0  }
0x12: {  	s1 =	sld [smem:$0x3F9B];
	s0 =	simm.s32 @p0 $0x1  }
0x13: {  	[smem:$0x3FB6] =	sst s0;
	s0 =	simm.s32 @!p1 $0x0  }
0x14: {  	s2 =	sld [smem:$0x3F9A];
	s0 =	simm.s32 @p1 $0x1  }
0x15: {  	[smem:$0x3FB7] =	sst s0;
	s0 =	simm.s32 @!p2 $0x0  }
0x16: {  	s3 =	sld [smem:$0x3FDB];
	s0 =	simm.s32 @p2 $0x1  }
0x17: {  	s4 =	simm.s32 $0x1BF5;
	[smem:$0x3FB9] =	sst s0  }
0x18: {  	s0 =	sld [smem:$0x3F9C];
	_ =	swait.ge [sflag:s4], $0x0  }
0x19: {  	s7 =	sld [smem:$0x3F9D]  }
0x1a: {  	s8 =	sadd.s32 $0xFFFFE003, lr  }
0x1b: {  	s9 =	sadd.s32 $0xFFFFFEF7, lr;
	s5 =	simm.s32 $0xFFFFFFFF;
	p2 =	slt.u32 s8, $0xFFFFF086  }
0x1c: {  	p1 =	slt.u32 s9, $0xF7A;
	s5 =	simm.s32 @!p2 $0x0  }
0x1d: {  	s5 =	simm.s32 @p1 $0x1;
	p0 =	seq.s32 s7, s2  }
0x1e: {  	s7 =	smul.u32 @!p0 $0xF7A, s2;
	p2 =	seq.s32 @!p0 s5, $0x0  }
0x1f: {  	s9 =	smul.u32 $0xF7A, s1;
	s8 =	simm.s32 @!p0 $0x1BF5;
	p2 =	por !p2, p0  }
0x20: {  	[sflag:s8] =	ssyncset.s32 @!p0 $0xFFFFF086;
	s6 =	sadd.s32 @!p0 s3, s7;
	s7 =	simm.s32 @!p0 $0x108  }
0x21: {  	s3 =	sadd.s32 s3, s9;
	s6 =	sadd.s32 @!p0 $0x88, s6;
	s7 =	simm.s32 @p2 $0x1082  }
0x22: {  	[simem:s7], [sflag:s8] =	dma.local @!p0 [hbm:s6], $0xF7A  }
0x23: {  	s9 =	sor.u32 $0xD0000000, s2;
	s6 =	simm.s32 $0x108;
	_ =	swait.ge @!p0 [sflag:s8], $0x0  }
0x24: {  	s3 =	sadd.s32 $0x88, s3;
	s6 =	simm.s32 @!p1 $0x1082;
	[sflag:s4] =	ssyncset.s32 $0xFFFFF086  }
0x25: {  	[simem:s6], [sflag:s4] =	dma.local [hbm:s3], $0xF7A  }
0x26: {  	[smem:$0x3F9D] =	sst s1;
	(tag) =	ssettag s2;
	_ =	strace s9  }
0x27: {  	s1 =	sld [smem:$0x3FAD]  }
0x28: {  	s2 =	sld [smem:$0x3FAE]  }
0x29: {  	s4 =	sld [smem:$0x3FB0]  }
0x2a: {  	p0 =	seq.s32 s5, $0x0;
	s5 =	sld [smem:$0x3FB1]  }
0x2b: {  	s6 =	sld [smem:$0x3FB2]  }
0x2c: {  	s7 =	sld [smem:$0x3FB3]  }
0x2d: {  	s3 =	simm.s32 $0x108;
	s8 =	sld [smem:$0x3FB4]  }
0x2e: {  	s3 =	simm.s32 @!p0 $0x1082;
	s9 =	sld [smem:$0x3FB5]  }
0x2f: {  	lr =	sadd.s32 s0, s3;
	s0 =	sld [smem:$0x3FAC]  }
0x30: {  	s3 =	sld [smem:$0x3FAF]  }
0x31: {  	[smem:$0x3FB8] =	sst s10  }
0x32: {  	s10 =	sld [smem:$0x3FB6];
	_ =	sdelay $0x3  }
0x33: {  	p0 =	seq.s32 s10, $0x1;
	s10 =	sld [smem:$0x3FB8];
	_ =	sdelay $0x3  }
0x34: {  	[smem:$0x3FB8] =	sst s10  }
0x35: {  	s10 =	sld [smem:$0x3FB7];
	_ =	sdelay $0x3  }
0x36: {  	p1 =	seq.s32 s10, $0x1;
	s10 =	sld [smem:$0x3FB8];
	_ =	sdelay $0x3  }
0x37: {  	[smem:$0x3FB8] =	sst s10  }
0x38: {  	s10 =	sld [smem:$0x3FB9]  }
0x39: {  	_ = 	snop;
	(pc) =	sbr.ind lr, $3  }
0x3a: {  	_ = 	snop  }
0x3b: {  	_ = 	snop  }
0x3c: {  	p2 =	seq.s32 s10, $0x1;
	s10 =	sld [smem:$0x3FB8]  }
0x3d: {  	_ =	shalt  }
0x3e: {  	_ =	shalt  }
0x3f: {  	_ =	shalt  }
0x40: {  	_ =	shalt  }
0x41: {  	_ =	shalt  }
0x42: {  	_ =	shalt  }
0x43: {  	_ =	shalt  }
0x44: {  	_ =	shalt  }
0x45: {  	_ =	shalt  }
0x46: {  	_ =	shalt  }
0x47: {  	_ =	shalt  }
0x48: {  	_ =	shalt  }
0x49: {  	_ =	shalt  }
0x4a: {  	_ =	shalt  }
0x4b: {  	_ =	shalt  }
0x4c: {  	_ =	shalt  }
0x4d: {  	_ =	shalt  }
0x4e: {  	_ =	shalt  }
0x4f: {  	_ =	shalt  }
0x50: {  	_ =	shalt  }
0x51: {  	_ =	shalt  }
0x52: {  	_ =	shalt  }
0x53: {  	_ =	shalt  }
0x54: {  	_ =	shalt  }
0x55: {  	_ =	shalt  }
0x56: {  	_ =	shalt  }
0x57: {  	_ =	shalt  }
0x58: {  	_ =	shalt  }
0x59: {  	_ =	shalt  }
0x5a: {  	_ =	shalt  }
0x5b: {  	_ =	shalt  }
0x5c: {  	_ =	shalt  }
0x5d: {  	_ =	shalt  }
0x5e: {  	_ =	shalt  }
0x5f: {  	_ =	shalt  }
0x60: {  	_ =	shalt  }
0x61: {  	_ =	shalt  }
0x62: {  	_ =	shalt  }
0x63: {  	_ =	shalt  }
0x64: {  	_ =	shalt  }
0x65: {  	_ =	shalt  }
0x66: {  	_ =	shalt  }
0x67: {  	_ =	shalt  }
0x68: {  	_ =	shalt  }
0x69: {  	_ =	shalt  }
0x6a: {  	_ =	shalt  }
0x6b: {  	_ =	shalt  }
0x6c: {  	_ =	shalt  }
0x6d: {  	_ =	shalt  }
0x6e: {  	_ =	shalt  }
0x6f: {  	_ =	shalt  }
0x70: {  	_ =	shalt  }
0x71: {  	_ =	shalt  }
0x72: {  	_ =	shalt  }
0x73: {  	_ =	shalt  }
0x74: {  	_ =	shalt  }
0x75: {  	_ =	shalt  }
0x76: {  	_ =	shalt  }
0x77: {  	_ =	shalt  }
0x78: {  	_ =	shalt  }
0x79: {  	_ =	shalt  }
0x7a: {  	_ =	shalt  }
0x7b: {  	_ =	shalt  }
0x7c: {  	_ =	shalt  }
0x7d: {  	_ =	shalt  }
0x7e: {  	_ =	shalt  }
0x7f: {  	_ =	shalt  }
0x80: {  	_ =	shalt  }
0x81: {  	_ =	shalt  }
0x82: {  	_ =	shalt  }
0x83: {  	_ =	shalt  }
0x84: {  	_ =	shalt  }
0x85: {  	_ =	shalt  }
0x86: {  	_ =	shalt  }
0x87: {  	_ =	shalt  }
.Lfunc_end0:
.L_simem_size_0:
called_computation_lowered:
.L_overlay_start_0:
0x88: {  	s2 =	sld [smem:$0x3FD9]  }
0x89: {  	s3 =	sld [smem:$0x3FFE];
	_ =	sdelay $0x1  }
0x8a: {  	s1 =	srdreg.scid  }
0x8b: {  	s0 =	sand.u32 $0x1, s1  }
0x8c: {  	s17 =	sshll.u32 s0, $0xA;
	s2 =	sadd.s32 s3, s2  }
0x8d: {  	s2 =	sadd.s32 s2, s17  }
0x8e: {  	[smem:$0x3FC4] =	sst s2  }
0x8f: {  	_ = 	snop  }
0x90: {  	s2 =	sld [smem:$0x3FD0];
	(tm) =	ssettm $0x1  }
0x91: {  	s18 =	sld [smem:$0x3FFB];
	_ =	sdelay $0x3  }
0x92: {  	_ =	strace s18  }
0x93: {  	s3 =	sld [smem:$0x3FFC];
	_ =	sdelay $0x3  }
0x94: {  	_ =	strace s3  }
0x95: {  	s3 =	sld [smem:$0x3FFD];
	_ =	sdelay $0x3  }
0x96: {  	_ =	strace s3  }
0x97: {  	_ =	strace $0x8FFFFFFF  }
0x98: {  	s19 =	sld [smem:$0x3FDB];
	_ =	sdelay $0x1  }
0x99: {  	s4 =	simm.s32 $_scs_section_size  }
0x9a: {  	s5 =	simm.s32 $_size__tile_overlayer_lowered;
	s6 =	simm.s32 $_tile_overlayer_lowered  }
0x9b: {  	s22 =	simm.s32 $0x1BFF;
	s21 =	sshll.u32 s6, $0x1;
	s3 =	sadd.s32 s4, s19  }
0x9c: {  	s7 =	simm.s32 $0x0;
	s20 =	sshll.u32 s5, $0x1;
	s5 =	sadd.s32 s21, s3  }
0x9d: {  	[timem:s7], [sflag:s22] =	dma.local [hbm:s5], s20  }
0x9e: {  	_ =	swait.ge [sflag:s22], s20  }
0x9f: {  	s4 =	ssub.s32 $0x0, s20;
	[sflag:s22] =	ssyncset.done $0x0  }
0xa0: {  	[sflag:s22] =	ssyncadd.s32 s4;
	_ =	sdelay $0x1  }
0xa1: {  	s23 =	simm.s32 $0x1B8B  }
0xa2: {  	_ =	swait.ge [sflag:s23], $0x1  }
0xa3: {  	[sflag:s23] =	ssyncset.done $0x0  }
0xa4: {  	s25 =	simm.s32 $0x1B8E;
	s24 =	sld [smem:$0x3FFE];
	[sflag:s23] =	ssyncadd.s32 $0xFFFFFFFF  }
0xa5: {  	s26 =	simm.s32 $execute0_lowered;
	[smem:$0x3FD2] =	sst s25  }
0xa6: {  	s5 =	sshll.u32 s26, $0x1;
	_ =	strace $0x80000046;
	[dreg:$0x1] =	wrdreg $0xFFFFFFFF  }
0xa7: {  	s28 =	simm.s32 $_size_execute0_lowered;
	s3 =	sadd.s32 s3, s5;
	[dreg:$0x0] =	wrdreg $0x0  }
0xa8: {  	s5 =	sshll.u32 s28, $0x1;
	[dreg:$0x2] =	wrdreg s3  }
0xa9: {  	[dreg:$0x3] =	wrdreg s5  }
0xaa: {  	[dreg:$0x4] =	wrdreg $0xC0  }
0xab: {  	_ =	task [dreg:s7], $0x5FFFF  }
0xac: {  	[dreg:$0x1] =	wrdreg $0xFFFFFFFF  }
0xad: {  	[dreg:$0x0] =	wrdreg $0x60  }
0xae: {  	[dreg:$0x2] =	wrdreg s24  }
0xaf: {  	[dreg:$0x3] =	wrdreg s2  }
0xb0: {  	[dreg:$0x4] =	wrdreg $0x1000  }
0xb1: {  	[dreg:$0x5] =	wrdreg $0x9  }
0xb2: {  	_ =	task.clear_ibuf [dreg:s7], $0x6FFFF;
	_ =	strace $0x90000046  }
0xb3: {  	s29 =	simm.s32 $0x9;
	_ =	strace $0x80000048  }
0xb4: {  	_ =	swait.ge [sflag:s29], $0x1  }
0xb5: {  	[sflag:s29] =	ssyncadd.s32 $0xFFFFFFFF  }
0xb6: {  	_ =	strace $0x90000048  }
0xb7: {  	_ =	sfence  }
0xb8: {  	s30 =	sld [smem:$0x0];
	_ =	sdelay $0x2  }
0xb9: {  	s31 =	sshll.u32 s1, $0xD;
	s1 =	sshrl.u32 s1, $0x2  }
0xba: {  	s3 =	sand.u32 $0x4000, s31;
	s1 =	sadd.s32 s1, s30  }
0xbb: {  	s0 =	sor.u32 s3, s0;
	s1 =	sshll.u32 s1, $0x11  }
0xbc: {  	s0 =	sor.u32 s1, s0  }
0xbd: {  	s0 =	sadd.s32 $0x8F2B, s0  }
0xbe: {  	[sflag:s0] =	ssyncadd.remote.s32 $0x1  }
0xbf: {  	_ =	sfence.sel $0xFFFF  }
0xc0: {  	[dreg:$0x0] =	wrdreg $0xFFFFFFFF;
	(pc) =	sbr.abs _section_cstart, $3  }
0xc1: {  	[dreg:$0x1] =	wrdreg $0xFFFFFFFF  }
0xc2: {  	_ =	task.clear_ibuf [dreg:s7], $0x2FFFF;
	_ =	strace $0x9FFFFFFF  }
0xc3: {  	(tm) =	ssettm $0x7FFFFFFF  }
tec
execute0_lowered:
.L_overlay_start_1:
0x0: {  	(tag) =	ssettag $0x1  }
0x1: {  	s7 =	rddreg [dreg:$0x0]  }
0x2: {  	s4 =	rddreg [dreg:$0x1];
	s0 =	srdreg.scid  }
0x3: {  	s2 =	rddreg [dreg:$0x2];
	s1 =	stileid.u32  }
0x4: {  	s3 =	simm.s32 $0x0;
	s12 =	simm.s32 $0x0;
	s8 =	smul.u32 $0x2800, s1  }
0x5: {  	s5 =	sand.u32 $0x1, s0;
	s0 =	rddreg [dreg:$0x3];
	s9 =	smul.u32 $0x280, s1  }
0x6: {  	[smem:$0x7FF] =	sst s3;
	s31 =	sshll.u32 s1, $0x6;
	s6 =	smul.u32 $0x28000, s5  }
0x7: {  	s26 =	ssub.s32 $0x2, s5;
	_ =	strace $0x80000047;
	p0 =	seq.s32 s5, $0x1  }
0x8: {  	s5 =	sor.u32 $0x1C01, s31;
	s10 =	sshrl.u32 s26, $0x1;
	s29 =	sadd.s32 s9, s2  }
0x9: {  	s30 =	sshrl.u32 s9, $0x3;
	s9 =	simm.s32 $0xDA00;
	s6 =	sadd.s32 s8, s6  }
0xa: {  	s28 =	ssub.s32 s26, s10;
	s4 =	sadd.s32 s4, s30;
	s6 =	sshrl.u32 s6, $0x3  }
0xb: {  	s9 =	simm.s32 @!p0 $0xE000;
	s10 =	simm.s32 $0x1;
	s11 =	sadd.s32 s6, s7  }
0xc: {  	s6 =	smax.u32 s28, $0x1;
	s7 =	sadd.s32 s9, s7;
	s9 =	sshrl.u32 s29, $0x3  }
0xd: {  	v0 =	vimm.f32 $1.000000000e+00;
	s7 =	sadd.s32 s7, s30;
	s8 =	sadd.s32 $0x3A00, s11;
	s11 =	simm.s32 $0x80  }
.LBB2_1:
0xe: {  	[spmem:s9], [sflag:s5] =	dma.local [hbm:s4], $0x50  }
0xf: {  	_ =	swait.ge [sflag:s10], $0x50  }
0x10: {  	[sflag:s10] =	ssyncset.done $0x0  }
0x11: {  	[sflag:s10] =	ssyncadd.s32 $0xFFFFFFB0  }
0x12: {  	[tilespmem:$0x80] =	vst v0  }
0x13: {  	[tilespmem:$0x90] =	vst v0  }
0x14: {  	[tilespmem:$0xA0] =	vst v0  }
0x15: {  	[tilespmem:$0xB0] =	vst v0  }
0x16: {  	[tilespmem:$0xC0] =	vst v0  }
0x17: {  	[tilespmem:$0xD0] =	vst v0  }
0x18: {  	[tilespmem:$0xE0] =	vst v0  }
0x19: {  	[tilespmem:$0xF0] =	vst v0  }
0x1a: {  	s13 =	sadd.s32 $0x0, s8;
	[bflag:$0x0] =	sbarrier.arrive $0xFFFF  }
0x1b: {  	[tilespmem:s3], [sflag:$0x1] =	stream.linear.gather [hbm4b:s13+s3], $0x80, $0x38;
	[tilespmem:$0x380] =	vst v63  }
0x1c: {  	_ =	swait.ge [sflag:s10], $0x80  }
0x1d: {  	[sflag:s10] =	ssyncset.done $0x0  }
0x1e: {  	[sflag:s10] =	ssyncadd.s32 $0xFFFFFF80  }
0x1f: {  	[spmem:s2] =	stream.indirect.scatter.add.f32 [tilespmem:s11], [sflag:$0x1], $0x1, s3, s11, $0xb8;
	[tilespmem:$0x380] =	vst v63  }
0x20: {  	_ =	swait.ge [sflag:s10], $0x80  }
0x21: {  	s14 =	simm.s32 $0x20;
	s13 =	simm.s32 $0x10;
	[sflag:s10] =	ssyncset.done $0x0  }
.LBB2_2:
0x22: {  	s15 =	sadd.s32 s13, s8  }
0x23: {  	[sflag:s10] =	ssyncadd.s32 $0xFFFFFF80;
	s13 =	smov.u32 s14;
	s16 =	sadd.s32 $0x10, s14  }
0x24: {  	[tilespmem:s3], [sflag:$0x1] =	stream.linear.gather [hbm4b:s15+s3], $0x80, $0x38;
	[tilespmem:$0x380] =	vst v63  }
0x25: {  	p0 =	sne.s32 s14, $0x4F0;
	_ =	swait.ge [sflag:s10], $0x80  }
.Ltmp0:
0x26: {  	[sflag:s10] =	ssyncset.done $0x0;
	(pc) =	sbr.rel @p0 .LBB2_2-.Ltmp0, $4  }
0x27: {  	[sflag:s10] =	ssyncadd.s32 $0xFFFFFF80  }
0x28: {  	[spmem:s2] =	stream.indirect.scatter.add.f32 [tilespmem:s11], [sflag:$0x1], $0x1, s3, s11, $0xb8;
	[tilespmem:$0x380] =	vst v63  }
0x29: {  	_ =	swait.ge [sflag:s10], $0x80  }
0x2a: {  	s14 =	smov.u32 s16;
	[sflag:s10] =	ssyncset.done $0x0  }
0x2b: {  	s13 =	sadd.s32 s13, s8;
	[sflag:s10] =	ssyncadd.s32 $0xFFFFFF80  }
0x2c: {  	[tilespmem:s3], [sflag:$0x1] =	stream.linear.gather [hbm4b:s13+s3], $0x80, $0x38;
	[tilespmem:$0x380] =	vst v63  }
0x2d: {  	_ =	swait.ge [sflag:s10], $0x80  }
0x2e: {  	[sflag:s10] =	ssyncset.done $0x0  }
0x2f: {  	[sflag:s10] =	ssyncadd.s32 $0xFFFFFF80  }
0x30: {  	[spmem:s2] =	stream.indirect.scatter.add.f32 [tilespmem:s11], [sflag:$0x1], $0x1, s3, s11, $0xb8;
	[tilespmem:$0x380] =	vst v63  }
0x31: {  	_ =	swait.ge [sflag:s10], $0x80  }
0x32: {  	s12 =	sadd.s32 $0x1, s12;
	[sflag:s10] =	ssyncset.done $0x0  }
0x33: {  	p0 =	sne.s32 s12, s6;
	[sflag:s10] =	ssyncadd.s32 $0xFFFFFF80  }
.Ltmp1:
0x34: {  	[bflag:$0x0] =	sbarrier.arrive $0xFFFF;
	(pc) =	sbr.rel @p0 .LBB2_1-.Ltmp1, $4  }
0x35: {  	[hbm:s7], [sflag:s5] =	dma.local [spmem:s9], $0x50  }
0x36: {  	_ =	swait.ge [sflag:s10], $0x50  }
0x37: {  	[sflag:s10] =	ssyncset.done $0x0  }
0x38: {  	[sflag:s10] =	ssyncadd.s32 $0xFFFFFFB0  }
0x39: {  	_ =	sfence.sel $0x180000  }
0x3a: {  	[bflag:$0x0] =	sbarrier.arrive $0xFFFF  }
0x3b: {  	p0 =	sne.s32 s1, $0x0;
	_ =	strace $0x90000047  }
0x3c: {  	s0 =	sadd.s32 @!p0 $0x100000, s0;
	[bflag:$0x2] =	sbarrier.arrive $0xFFFF  }
0x3d: {  	[sflag:s0] =	ssyncadd.tile.s32 @!p0 $0x1;
	_ =	shalt  }
.Lfunc_end2:
_tile_overlayer_lowered:
.L_overlay_start_2:
0x3e: {  	(tag) =	ssettag $0x2  }
0x3f: {  	s0 =	rddreg [dreg:$0x0];
	s2 =	stileid.u32  }
0x40: {  	s1 =	rddreg [dreg:$0x1];
	p0 =	sne.s32 s2, $0x0  }
0x41: {  	s3 =	rddreg [dreg:$0x2];
	[bflag:$0x3] =	sbarrier.arrive $0xFFFF;
	s2 =	simm.s32 @!p0 $0x1C01  }
0x42: {  	[timem:s3], [sflag:s2] =	dma.local @!p0 [hbm:s0], s1  }
0x43: {  	s0 =	simm.s32 @!p0 $0x1  }
0x44: {  	_ =	swait.ge @!p0 [sflag:s0], s1  }
0x45: {  	s1 =	ssub.s32 @!p0 $0x0, s1;
	[sflag:s0] =	ssyncset.done @!p0 $0x0  }
0x46: {  	[sflag:s0] =	ssyncadd.s32 @!p0 s1  }
0x47: {  	[bflag:$0x3] =	sbarrier.arrive $0xFFFF  }
0x48: {  	_ =	shalt  }

</sc_bundles>
